<compile_context>
chip_gen: v7x
topology: tpu7x:2x2x1
jax: 0.10.2.dev20260603
libtpu: 0.0.44.dev20260713+nightly
codegen_flags: <defaults>
</compile_context>

<pallas_src>
import functools

import jax
import jax.numpy as jnp
from jax import lax
from jax.experimental import pallas as pl
from jax.experimental.pallas import tpu as pltpu
from jax.experimental.pallas import tpu_sc as plsc

_ND = 50
_HWD = 10
_VOCAB = 101
_L = 16
_F32 = jnp.float32
_I32 = jnp.int32

_OFF_HW = 17
_OFF_HWT = 32
_META = 532

_OFF_HEAD, _OFF_MLP, _OFF_NAR = 0, 64, 112

_NROW = 56


def _full(v):
    return jnp.full((_L,), v, _I32)


def _rne_bf16(v):
    b = plsc.bitcast(v, _I32)
    r = b + jnp.int32(0x7FFF) + ((b >> 16) & 1)
    return plsc.bitcast(r & jnp.int32(-65536), _F32)


def _similarity(metav, iota):
    dcl = [jnp.minimum(iota + 16 * j, _ND - 1) for j in range(4)]

    def dot_step(k, accs):
        hwk = _rne_bf16(plsc.load_gather(metav, [iota * 0 + (_OFF_HW + k)]))
        return tuple(
            accs[j] + hwk * _rne_bf16(
                plsc.load_gather(metav, [dcl[j] * _HWD + (_OFF_HWT + k)]))
            for j in range(4)
        )

    zero = jnp.zeros((_L,), _F32)
    accs = lax.fori_loop(0, _HWD, dot_step, (zero, zero, zero, zero))
    scale = jnp.float32(1.0 / (_HWD ** 0.5))
    zs = [a * scale for a in accs]
    m = jnp.max(jnp.maximum(jnp.maximum(zs[0], zs[1]),
                            jnp.maximum(zs[2], zs[3])))
    es = [jnp.where(iota + 16 * j < _ND, jnp.exp(zs[j] - m),
                    jnp.float32(0.0)) for j in range(4)]
    s = jnp.sum(es[0] + es[1] + es[2] + es[3])
    rv = jnp.full((_L,), 1.0, _F32) / jnp.broadcast_to(s, (_L,))
    return [e * rv for e in es]


def _wide(tbl_hbm, metav, gidx, rows_ref, sim_ref, iota, nvec,
          ov_ref, o_all, off, sem):
    cp = pltpu.async_copy(tbl_hbm.at[gidx.at[pl.ds(0, _NROW)]], rows_ref, sem)
    sims = _similarity(metav, iota)
    for j in range(4):
        sim_ref[pl.ds(16 + 16 * j, 16)] = sims[j]
    cp.wait()

    def step(d, accs):
        sd = _rne_bf16(plsc.load_gather(sim_ref, [iota * 0 + (16 + d)]))
        return tuple(
            accs[t] + sd * _rne_bf16(
                plsc.load_gather(rows_ref, [_full(0) + d, iota + 16 * t]))
            for t in range(nvec)
        )

    accs = lax.fori_loop(0, _ND, step,
                         tuple(jnp.zeros((_L,), _F32) for _ in range(nvec)))
    for t in range(nvec):
        ov_ref[pl.ds(16 * t, 16)] = accs[t]
    pltpu.sync_copy(ov_ref.at[pl.ds(0, 16 * nvec)],
                    o_all.at[pl.ds(off, 16 * nvec)])


_OUT_TYPE = jax.ShapeDtypeStruct((160,), _F32)

_SCRATCH = [
    pltpu.VMEM((_META,), _F32),
    pltpu.VMEM((64,), _I32),
    pltpu.VMEM((80,), _F32),
    pltpu.VMEM((_NROW, 64), _F32),
    pltpu.VMEM((_NROW, 48), _F32),
    pltpu.VMEM((_NROW, 16), _F32),
    pltpu.VMEM((64,), _F32),
    pltpu.SemaphoreType.DMA,
]


def _mhn_body(meta_r, hd_r, mlp_r, nar_r,
              o_all,
              metav, gidx, simv, rows_h, rows_m, rows_n,
              ov, sem):
    wid = lax.axis_index("s")
    iota = lax.iota(_I32, _L)

    @pl.when(wid < 3)
    def _body():
        pltpu.sync_copy(meta_r, metav)
        xv = metav[pl.ds(0, 16)]
        idxb = (xv * 101.0).astype(_I32)
        for j in range(4):
            gidx[pl.ds(16 * j, 16)] = (
                jnp.minimum(iota + 16 * j, _ND - 1) * _VOCAB + idxb)

        @pl.when(wid == 0)
        def _head():
            _wide(hd_r, metav, gidx, rows_h, simv, iota, 4,
                  ov, o_all, _OFF_HEAD, sem)

        @pl.when(wid == 1)
        def _mlp():
            _wide(mlp_r, metav, gidx, rows_m, simv, iota, 3,
                  ov, o_all, _OFF_MLP, sem)

        @pl.when(wid == 2)
        def _nar():
            _wide(nar_r, metav, gidx, rows_n, simv, iota, 1,
                  ov, o_all, _OFF_NAR, sem)


@functools.cache
def _mhn_kernel():
    mesh = plsc.VectorSubcoreMesh(core_axis_name="c", subcore_axis_name="s",
                                  num_cores=1)
    return pl.kernel(
        _mhn_body, out_type=_OUT_TYPE, mesh=mesh, scratch_types=_SCRATCH,
        compiler_params=pltpu.CompilerParams(needs_layout_passes=False,
                                             use_tc_tiling_on_sc=False))


def kernel(x, hw, hw_table, emb_layer, emb_head, emb_mlp, emb_embed, emb_bias):
    meta = jnp.concatenate([
        jnp.broadcast_to(x[0, :1], (16,)),
        jnp.zeros((1,), _F32), hw, jnp.zeros((5,), _F32),
        hw_table.reshape(-1),
    ])
    nrows = _ND * _VOCAB
    nar = jnp.concatenate([
        emb_layer.reshape(nrows, 3),
        emb_embed.reshape(nrows, 4),
        emb_bias.reshape(nrows, 2),
        jnp.zeros((nrows, 7), _F32),
    ], axis=1)
    o = _mhn_kernel()(
        meta,
        emb_head.reshape(-1, 64),
        emb_mlp.reshape(-1, 48),
        nar,
    )
    return (o[_OFF_NAR:_OFF_NAR + 3],
            o[_OFF_HEAD:_OFF_HEAD + 64].reshape(16, 4),
            o[_OFF_MLP:_OFF_MLP + 48].reshape(16, 3),
            o[_OFF_NAR + 3:_OFF_NAR + 7],
            o[_OFF_NAR + 7:_OFF_NAR + 9])

# --- scband reference (transcript-rebuilt; emitter-appended) ---
"""Pipeline reference for scband-meta-hyper-network-31447750541955 (READ-ONLY COPY).

The authoritative reference and input builder live on the scoring server;
editing this copy changes nothing except your own understanding.
"""

import jax, jax.numpy as jnp
import numpy as np

NUM_DEVICES = 50
HW_DIM = 10
NUM_LAYERS = 16
N_LAYER_CH = 3
N_HEAD_CH = 4
N_MLP_CH = 3
N_EMBED_CH = 4
VOCAB = 101


def setup_inputs(seed: int = 0) -> dict:
    key = jax.random.key(seed)
    ks = jax.random.split(key, 8)
    x = jax.random.uniform(ks[0], (1, 16), dtype=jnp.float32)
    hw = jax.random.normal(ks[1], (HW_DIM,), dtype=jnp.float32)
    hw_table = jax.random.normal(ks[2], (NUM_DEVICES, HW_DIM), dtype=jnp.float32)
    emb_layer = jax.random.normal(ks[3], (NUM_DEVICES, VOCAB, N_LAYER_CH), dtype=jnp.float32)
    emb_head = jax.random.normal(ks[4], (NUM_DEVICES, VOCAB, N_HEAD_CH * NUM_LAYERS), dtype=jnp.float32)
    emb_mlp = jax.random.normal(ks[5], (NUM_DEVICES, VOCAB, N_MLP_CH * NUM_LAYERS), dtype=jnp.float32)
    emb_embed = jax.random.normal(ks[6], (NUM_DEVICES, VOCAB, N_EMBED_CH), dtype=jnp.float32)
    emb_bias = jax.random.normal(ks[7], (NUM_DEVICES, VOCAB, 2), dtype=jnp.float32)
    return {"x": x, "hw": hw, "hw_table": hw_table, "emb_layer": emb_layer,
            "emb_head": emb_head, "emb_mlp": emb_mlp, "emb_embed": emb_embed,
            "emb_bias": emb_bias}


def reference(x, hw, hw_table, emb_layer, emb_head, emb_mlp, emb_embed, emb_bias):
    # similarity = softmax(hw @ W_hw^T / sqrt(hw_embed_dim))
    sim = jax.nn.softmax((hw @ hw_table.T) / jnp.sqrt(jnp.float32(HW_DIM)))  # [NUM_DEVICES]
    # id = int(x[0][0] * 101); same index used for every per-device hypernetwork
    idx = jnp.floor(x[0, 0] * 101.0).astype(jnp.int32)
    # gather the row `idx` from every device's five embedding tables
    layer_arch = emb_layer[:, idx, :]                                         # [D, 3]
    head_arch = emb_head[:, idx, :].reshape(NUM_DEVICES, NUM_LAYERS, N_HEAD_CH)
    mlp_arch = emb_mlp[:, idx, :].reshape(NUM_DEVICES, NUM_LAYERS, N_MLP_CH)
    embed_arch = emb_embed[:, idx, :]                                         # [D, 4]
    bias_arch = emb_bias[:, idx, :]                                           # [D, 2]
    # similarity-weighted sum over devices (the python loop in torch)
    out_layer = sim @ layer_arch                      # [3]
    out_head = jnp.einsum('i,ijk->jk', sim, head_arch)    # [16, 4]
    out_mlp = jnp.einsum('i,ijk->jk', sim, mlp_arch)      # [16, 3]
    out_embed = sim @ embed_arch                      # [4]
    out_bias = sim @ bias_arch                        # [2]
    return (out_layer, out_head, out_mlp, out_embed, out_bias)

if __name__ == "__main__":
    import jax
    _d = setup_inputs()
    print(jax.jit(kernel)(*tuple(_d.values())))

</pallas_src>

<mosaic_0001>
#map = affine_map<(d0, d1) -> (0)>
#map1 = affine_map<(d0, d1) -> (0, 0)>
module attributes {stable_mosaic.version = 14 : i64} {
  func.func @_mhn_body(%arg0: i32, %arg1: i32, %arg2: memref<532xf32, #tpu.memory_space<hbm>>, %arg3: memref<5050x64xf32, #tpu.memory_space<hbm>>, %arg4: memref<5050x48xf32, #tpu.memory_space<hbm>>, %arg5: memref<5050x16xf32, #tpu.memory_space<hbm>>, %arg6: memref<160xf32, #tpu.memory_space<hbm>>, %arg7: memref<532xf32, #tpu.memory_space<vmem>>, %arg8: memref<64xi32, #tpu.memory_space<vmem>>, %arg9: memref<80xf32, #tpu.memory_space<vmem>>, %arg10: memref<56x64xf32, #tpu.memory_space<vmem>>, %arg11: memref<56x48xf32, #tpu.memory_space<vmem>>, %arg12: memref<56x16xf32, #tpu.memory_space<vmem>>, %arg13: memref<64xf32, #tpu.memory_space<vmem>>, %arg14: memref<!tpu.dma_semaphore, #tpu.memory_space<semaphore_mem>>) attributes {dimension_semantics = [#tpu.dimension_semantics<core_parallel>, #tpu.dimension_semantics<subcore_parallel>], iteration_bounds = array<i64: 1, 16>, scalar_prefetch = 0 : i64, scratch_operands = 8 : i64, tpu.core_type = #tpu.core_type<sc_vector_subcore>, window_params = [{transform_indices = #map}, {transform_indices = #map1}, {transform_indices = #map1}, {transform_indices = #map1}, {transform_indices = #map}]} {
    %iota3A = tpu.iota {dimensions = array<i32: 0>} : vector<16xi32>
    %lt3A = arith.constant 3 : i32
    %lt3A_0 = arith.cmpi slt, %arg1, %lt3A : i32
    %convert_element_type3A = arith.extui %lt3A_0 : i1 to i32
    %cond3A = arith.constant 0 : i32
    %cond3A_1 = arith.cmpi ne, %convert_element_type3A, %cond3A : i32
    scf.if %cond3A_1 {
      "tpu.region"() ({
        %run_scoped3A = tpu.sem_alloc : memref<!tpu.dma_semaphore, #tpu.memory_space<semaphore_mem>>
        tpu.enqueue_dma source(%arg2 : memref<532xf32, #tpu.memory_space<hbm>>) target(%arg7 : memref<532xf32, #tpu.memory_space<vmem>>) target_semaphore(%run_scoped3A : memref<!tpu.dma_semaphore, #tpu.memory_space<semaphore_mem>>)
        tpu.wait_dma2 semaphore(%run_scoped3A : memref<!tpu.dma_semaphore, #tpu.memory_space<semaphore_mem>>) src(%arg2 : memref<532xf32, #tpu.memory_space<hbm>>) dst(%arg7 : memref<532xf32, #tpu.memory_space<vmem>>)
        tpu.yield
      }) : () -> ()
      %get3A = arith.constant 0 : index
      %get3A_2 = tpu.vector_load %arg7[%get3A] {strides = array<i32>} : memref<532xf32, #tpu.memory_space<vmem>>, vector<16xf32>,
      %mul3A = arith.constant 1.010000e+02 : f32
      %mul3A_3 = vector.broadcast %mul3A : f32 to vector<16xf32>
      %mul3A_4 = arith.mulf %get3A_2, %mul3A_3 : vector<16xf32>
      %convert_element_type3A_5 = arith.fptosi %mul3A_4 : vector<16xf32> to vector<16xi32>
      %add3A = arith.constant 0 : i32
      %add3A_6 = vector.broadcast %add3A : i32 to vector<16xi32>
      %add3A_7 = arith.addi %iota3A, %add3A_6 : vector<16xi32>
      %min3A = arith.constant 49 : i32
      %min3A_8 = vector.broadcast %min3A : i32 to vector<16xi32>
      %min3A_9 = arith.minsi %add3A_7, %min3A_8 : vector<16xi32>
      %mul3A_10 = arith.constant 101 : i32
      %mul3A_11 = vector.broadcast %mul3A_10 : i32 to vector<16xi32>
      %mul3A_12 = arith.muli %min3A_9, %mul3A_11 : vector<16xi32>
      %add3A_13 = arith.addi %mul3A_12, %convert_element_type3A_5 : vector<16xi32>
      %swap3A = arith.constant 0 : index
      %swap3A_14 = tpu.vector_load %arg8[%swap3A] {strides = array<i32>} : memref<64xi32, #tpu.memory_space<vmem>>, vector<16xi32>,
      tpu.vector_store %arg8[%swap3A], %add3A_13 {strides = array<i32>} : memref<64xi32, #tpu.memory_space<vmem>>, vector<16xi32>,
      %add3A_15 = arith.constant 16 : i32
      %add3A_16 = vector.broadcast %add3A_15 : i32 to vector<16xi32>
      %add3A_17 = arith.addi %iota3A, %add3A_16 : vector<16xi32>
      %min3A_18 = arith.constant 49 : i32
      %min3A_19 = vector.broadcast %min3A_18 : i32 to vector<16xi32>
      %min3A_20 = arith.minsi %add3A_17, %min3A_19 : vector<16xi32>
      %mul3A_21 = arith.constant 101 : i32
      %mul3A_22 = vector.broadcast %mul3A_21 : i32 to vector<16xi32>
      %mul3A_23 = arith.muli %min3A_20, %mul3A_22 : vector<16xi32>
      %add3A_24 = arith.addi %mul3A_23, %convert_element_type3A_5 : vector<16xi32>
      %swap3A_25 = arith.constant 16 : index
      %swap3A_26 = tpu.vector_load %arg8[%swap3A_25] {strides = array<i32>} : memref<64xi32, #tpu.memory_space<vmem>>, vector<16xi32>,
      tpu.vector_store %arg8[%swap3A_25], %add3A_24 {strides = array<i32>} : memref<64xi32, #tpu.memory_space<vmem>>, vector<16xi32>,
      %add3A_27 = arith.constant 32 : i32
      %add3A_28 = vector.broadcast %add3A_27 : i32 to vector<16xi32>
      %add3A_29 = arith.addi %iota3A, %add3A_28 : vector<16xi32>
      %min3A_30 = arith.constant 49 : i32
      %min3A_31 = vector.broadcast %min3A_30 : i32 to vector<16xi32>
      %min3A_32 = arith.minsi %add3A_29, %min3A_31 : vector<16xi32>
      %mul3A_33 = arith.constant 101 : i32
      %mul3A_34 = vector.broadcast %mul3A_33 : i32 to vector<16xi32>
      %mul3A_35 = arith.muli %min3A_32, %mul3A_34 : vector<16xi32>
      %add3A_36 = arith.addi %mul3A_35, %convert_element_type3A_5 : vector<16xi32>
      %swap3A_37 = arith.constant 32 : index
      %swap3A_38 = tpu.vector_load %arg8[%swap3A_37] {strides = array<i32>} : memref<64xi32, #tpu.memory_space<vmem>>, vector<16xi32>,
      tpu.vector_store %arg8[%swap3A_37], %add3A_36 {strides = array<i32>} : memref<64xi32, #tpu.memory_space<vmem>>, vector<16xi32>,
      %add3A_39 = arith.constant 48 : i32
      %add3A_40 = vector.broadcast %add3A_39 : i32 to vector<16xi32>
      %add3A_41 = arith.addi %iota3A, %add3A_40 : vector<16xi32>
      %min3A_42 = arith.constant 49 : i32
      %min3A_43 = vector.broadcast %min3A_42 : i32 to vector<16xi32>
      %min3A_44 = arith.minsi %add3A_41, %min3A_43 : vector<16xi32>
      %mul3A_45 = arith.constant 101 : i32
      %mul3A_46 = vector.broadcast %mul3A_45 : i32 to vector<16xi32>
      %mul3A_47 = arith.muli %min3A_44, %mul3A_46 : vector<16xi32>
      %add3A_48 = arith.addi %mul3A_47, %convert_element_type3A_5 : vector<16xi32>
      %swap3A_49 = arith.constant 48 : index
      %swap3A_50 = tpu.vector_load %arg8[%swap3A_49] {strides = array<i32>} : memref<64xi32, #tpu.memory_space<vmem>>, vector<16xi32>,
      tpu.vector_store %arg8[%swap3A_49], %add3A_48 {strides = array<i32>} : memref<64xi32, #tpu.memory_space<vmem>>, vector<16xi32>,
      %eq3A = arith.constant 0 : i32
      %eq3A_51 = arith.cmpi eq, %arg1, %eq3A : i32
      %convert_element_type3A_52 = arith.extui %eq3A_51 : i1 to i32
      %cond3A_53 = arith.constant 0 : i32
      %cond3A_54 = arith.cmpi ne, %convert_element_type3A_52, %cond3A_53 : i32
      scf.if %cond3A_54 {
        %dma_start3A = arith.constant 0 : i32
        %dma_start3A_65 = tpu.memref_slice %arg8[%dma_start3A] : memref<64xi32, #tpu.memory_space<vmem>> -> memref<56xi32, #tpu.memory_space<vmem>>
        %dma_start3A_66 = arith.constant 0 : i32
        %dma_start3A_67 = arith.constant 0 : i32
        %dma_start3A_68 = tpu.memref_slice %arg3[%dma_start3A_66, %dma_start3A_67] : memref<5050x64xf32, #tpu.memory_space<hbm>> -> memref<5050x64xf32, #tpu.memory_space<hbm>>
        tpu.enqueue_indirect_dma source(%dma_start3A_68 : memref<5050x64xf32, #tpu.memory_space<hbm>>) target(%arg10 : memref<56x64xf32, #tpu.memory_space<vmem>>) offsets(%dma_start3A_65 : memref<56xi32, #tpu.memory_space<vmem>>) semaphore(%arg14 : memref<!tpu.dma_semaphore, #tpu.memory_space<semaphore_mem>>)
        %add3A_69 = arith.constant 0 : i32
        %add3A_70 = vector.broadcast %add3A_69 : i32 to vector<16xi32>
        %add3A_71 = arith.addi %iota3A, %add3A_70 : vector<16xi32>
        %min3A_72 = arith.constant 49 : i32
        %min3A_73 = vector.broadcast %min3A_72 : i32 to vector<16xi32>
        %min3A_74 = arith.minsi %add3A_71, %min3A_73 : vector<16xi32>
        %add3A_75 = arith.constant 16 : i32
        %add3A_76 = vector.broadcast %add3A_75 : i32 to vector<16xi32>
        %add3A_77 = arith.addi %iota3A, %add3A_76 : vector<16xi32>
        %min3A_78 = arith.constant 49 : i32
        %min3A_79 = vector.broadcast %min3A_78 : i32 to vector<16xi32>
        %min3A_80 = arith.minsi %add3A_77, %min3A_79 : vector<16xi32>
        %add3A_81 = arith.constant 32 : i32
        %add3A_82 = vector.broadcast %add3A_81 : i32 to vector<16xi32>
        %add3A_83 = arith.addi %iota3A, %add3A_82 : vector<16xi32>
        %min3A_84 = arith.constant 49 : i32
        %min3A_85 = vector.broadcast %min3A_84 : i32 to vector<16xi32>
        %min3A_86 = arith.minsi %add3A_83, %min3A_85 : vector<16xi32>
        %add3A_87 = arith.constant 48 : i32
        %add3A_88 = vector.broadcast %add3A_87 : i32 to vector<16xi32>
        %add3A_89 = arith.addi %iota3A, %add3A_88 : vector<16xi32>
        %min3A_90 = arith.constant 49 : i32
        %min3A_91 = vector.broadcast %min3A_90 : i32 to vector<16xi32>
        %min3A_92 = arith.minsi %add3A_89, %min3A_91 : vector<16xi32>
        %broadcast_in_dim3A = arith.constant 0.000000e+00 : f32
        %broadcast_in_dim3A_93 = vector.broadcast %broadcast_in_dim3A : f32 to vector<16xf32>
        %scan3A = arith.constant 0 : i32
        %scan3A_94 = arith.constant 10 : i32
        %scan3A_95 = arith.addi %scan3A, %scan3A_94 : i32
        %scan3A_96 = arith.constant 1 : i32
        %scan3A_97:4 = scf.for %scan3A_207 = %scan3A to %scan3A_95 step %scan3A_96 iter_args(%scan3A_208 = %broadcast_in_dim3A_93, %scan3A_209 = %broadcast_in_dim3A_93, %scan3A_210 = %broadcast_in_dim3A_93, %scan3A_211 = %broadcast_in_dim3A_93) -> (vector<16xf32>, vector<16xf32>, vector<16xf32>, vector<16xf32>)  : i32 {
          %mul3A_212 = arith.constant 0 : i32
          %mul3A_213 = vector.broadcast %mul3A_212 : i32 to vector<16xi32>
          %mul3A_214 = arith.muli %iota3A, %mul3A_213 : vector<16xi32>
          %add3A_215 = arith.constant 17 : i32
          %add3A_216 = arith.addi %add3A_215, %scan3A_207 : i32
          %add3A_217 = vector.broadcast %add3A_216 : i32 to vector<16xi32>
          %add3A_218 = arith.addi %mul3A_214, %add3A_217 : vector<16xi32>
          %gather3A = tpu.vector_load_idx %arg7[%add3A_218] : memref<532xf32, #tpu.memory_space<vmem>>[vector<16xi32>], vector<16xf32>,
          %bitcast3A = vector.bitcast %gather3A : vector<16xf32> to vector<16xi32>
          %add3A_219 = arith.constant 32767 : i32
          %add3A_220 = vector.broadcast %add3A_219 : i32 to vector<16xi32>
          %add3A_221 = arith.addi %bitcast3A, %add3A_220 : vector<16xi32>
          %shift_right_arithmetic3A = arith.constant 16 : i32
          %shift_right_arithmetic3A_222 = vector.broadcast %shift_right_arithmetic3A : i32 to vector<16xi32>
          %shift_right_arithmetic3A_223 = arith.shrsi %bitcast3A, %shift_right_arithmetic3A_222 : vector<16xi32>
          %and3A = arith.constant 1 : i32
          %and3A_224 = vector.broadcast %and3A : i32 to vector<16xi32>
          %and3A_225 = arith.andi %shift_right_arithmetic3A_223, %and3A_224 : vector<16xi32>
          %add3A_226 = arith.addi %add3A_221, %and3A_225 : vector<16xi32>
          %and3A_227 = arith.constant -65536 : i32
          %and3A_228 = vector.broadcast %and3A_227 : i32 to vector<16xi32>
          %and3A_229 = arith.andi %add3A_226, %and3A_228 : vector<16xi32>
          %bitcast3A_230 = vector.bitcast %and3A_229 : vector<16xi32> to vector<16xf32>
          %mul3A_231 = arith.constant 10 : i32
          %mul3A_232 = vector.broadcast %mul3A_231 : i32 to vector<16xi32>
          %mul3A_233 = arith.muli %min3A_74, %mul3A_232 : vector<16xi32>
          %add3A_234 = arith.constant 32 : i32
          %add3A_235 = arith.addi %add3A_234, %scan3A_207 : i32
          %add3A_236 = vector.broadcast %add3A_235 : i32 to vector<16xi32>
          %add3A_237 = arith.addi %mul3A_233, %add3A_236 : vector<16xi32>
          %gather3A_238 = tpu.vector_load_idx %arg7[%add3A_237] : memref<532xf32, #tpu.memory_space<vmem>>[vector<16xi32>], vector<16xf32>,
          %bitcast3A_239 = vector.bitcast %gather3A_238 : vector<16xf32> to vector<16xi32>
          %add3A_240 = arith.constant 32767 : i32
          %add3A_241 = vector.broadcast %add3A_240 : i32 to vector<16xi32>
          %add3A_242 = arith.addi %bitcast3A_239, %add3A_241 : vector<16xi32>
          %shift_right_arithmetic3A_243 = arith.constant 16 : i32
          %shift_right_arithmetic3A_244 = vector.broadcast %shift_right_arithmetic3A_243 : i32 to vector<16xi32>
          %shift_right_arithmetic3A_245 = arith.shrsi %bitcast3A_239, %shift_right_arithmetic3A_244 : vector<16xi32>
          %and3A_246 = arith.constant 1 : i32
          %and3A_247 = vector.broadcast %and3A_246 : i32 to vector<16xi32>
          %and3A_248 = arith.andi %shift_right_arithmetic3A_245, %and3A_247 : vector<16xi32>
          %add3A_249 = arith.addi %add3A_242, %and3A_248 : vector<16xi32>
          %and3A_250 = arith.constant -65536 : i32
          %and3A_251 = vector.broadcast %and3A_250 : i32 to vector<16xi32>
          %and3A_252 = arith.andi %add3A_249, %and3A_251 : vector<16xi32>
          %bitcast3A_253 = vector.bitcast %and3A_252 : vector<16xi32> to vector<16xf32>
          %mul3A_254 = arith.mulf %bitcast3A_230, %bitcast3A_253 : vector<16xf32>
          %add3A_255 = arith.addf %scan3A_208, %mul3A_254 : vector<16xf32>
          %mul3A_256 = arith.constant 10 : i32
          %mul3A_257 = vector.broadcast %mul3A_256 : i32 to vector<16xi32>
          %mul3A_258 = arith.muli %min3A_80, %mul3A_257 : vector<16xi32>
          %add3A_259 = arith.constant 32 : i32
          %add3A_260 = arith.addi %add3A_259, %scan3A_207 : i32
          %add3A_261 = vector.broadcast %add3A_260 : i32 to vector<16xi32>
          %add3A_262 = arith.addi %mul3A_258, %add3A_261 : vector<16xi32>
          %gather3A_263 = tpu.vector_load_idx %arg7[%add3A_262] : memref<532xf32, #tpu.memory_space<vmem>>[vector<16xi32>], vector<16xf32>,
          %bitcast3A_264 = vector.bitcast %gather3A_263 : vector<16xf32> to vector<16xi32>
          %add3A_265 = arith.constant 32767 : i32
          %add3A_266 = vector.broadcast %add3A_265 : i32 to vector<16xi32>
          %add3A_267 = arith.addi %bitcast3A_264, %add3A_266 : vector<16xi32>
          %shift_right_arithmetic3A_268 = arith.constant 16 : i32
          %shift_right_arithmetic3A_269 = vector.broadcast %shift_right_arithmetic3A_268 : i32 to vector<16xi32>
          %shift_right_arithmetic3A_270 = arith.shrsi %bitcast3A_264, %shift_right_arithmetic3A_269 : vector<16xi32>
          %and3A_271 = arith.constant 1 : i32
          %and3A_272 = vector.broadcast %and3A_271 : i32 to vector<16xi32>
          %and3A_273 = arith.andi %shift_right_arithmetic3A_270, %and3A_272 : vector<16xi32>
          %add3A_274 = arith.addi %add3A_267, %and3A_273 : vector<16xi32>
          %and3A_275 = arith.constant -65536 : i32
          %and3A_276 = vector.broadcast %and3A_275 : i32 to vector<16xi32>
          %and3A_277 = arith.andi %add3A_274, %and3A_276 : vector<16xi32>
          %bitcast3A_278 = vector.bitcast %and3A_277 : vector<16xi32> to vector<16xf32>
          %mul3A_279 = arith.mulf %bitcast3A_230, %bitcast3A_278 : vector<16xf32>
          %add3A_280 = arith.addf %scan3A_209, %mul3A_279 : vector<16xf32>
          %mul3A_281 = arith.constant 10 : i32
          %mul3A_282 = vector.broadcast %mul3A_281 : i32 to vector<16xi32>
          %mul3A_283 = arith.muli %min3A_86, %mul3A_282 : vector<16xi32>
          %add3A_284 = arith.constant 32 : i32
          %add3A_285 = arith.addi %add3A_284, %scan3A_207 : i32
          %add3A_286 = vector.broadcast %add3A_285 : i32 to vector<16xi32>
          %add3A_287 = arith.addi %mul3A_283, %add3A_286 : vector<16xi32>
          %gather3A_288 = tpu.vector_load_idx %arg7[%add3A_287] : memref<532xf32, #tpu.memory_space<vmem>>[vector<16xi32>], vector<16xf32>,
          %bitcast3A_289 = vector.bitcast %gather3A_288 : vector<16xf32> to vector<16xi32>
          %add3A_290 = arith.constant 32767 : i32
          %add3A_291 = vector.broadcast %add3A_290 : i32 to vector<16xi32>
          %add3A_292 = arith.addi %bitcast3A_289, %add3A_291 : vector<16xi32>
          %shift_right_arithmetic3A_293 = arith.constant 16 : i32
          %shift_right_arithmetic3A_294 = vector.broadcast %shift_right_arithmetic3A_293 : i32 to vector<16xi32>
          %shift_right_arithmetic3A_295 = arith.shrsi %bitcast3A_289, %shift_right_arithmetic3A_294 : vector<16xi32>
          %and3A_296 = arith.constant 1 : i32
          %and3A_297 = vector.broadcast %and3A_296 : i32 to vector<16xi32>
          %and3A_298 = arith.andi %shift_right_arithmetic3A_295, %and3A_297 : vector<16xi32>
          %add3A_299 = arith.addi %add3A_292, %and3A_298 : vector<16xi32>
          %and3A_300 = arith.constant -65536 : i32
          %and3A_301 = vector.broadcast %and3A_300 : i32 to vector<16xi32>
          %and3A_302 = arith.andi %add3A_299, %and3A_301 : vector<16xi32>
          %bitcast3A_303 = vector.bitcast %and3A_302 : vector<16xi32> to vector<16xf32>
          %mul3A_304 = arith.mulf %bitcast3A_230, %bitcast3A_303 : vector<16xf32>
          %add3A_305 = arith.addf %scan3A_210, %mul3A_304 : vector<16xf32>
          %mul3A_306 = arith.constant 10 : i32
          %mul3A_307 = vector.broadcast %mul3A_306 : i32 to vector<16xi32>
          %mul3A_308 = arith.muli %min3A_92, %mul3A_307 : vector<16xi32>
          %add3A_309 = arith.constant 32 : i32
          %add3A_310 = arith.addi %add3A_309, %scan3A_207 : i32
          %add3A_311 = vector.broadcast %add3A_310 : i32 to vector<16xi32>
          %add3A_312 = arith.addi %mul3A_308, %add3A_311 : vector<16xi32>
          %gather3A_313 = tpu.vector_load_idx %arg7[%add3A_312] : memref<532xf32, #tpu.memory_space<vmem>>[vector<16xi32>], vector<16xf32>,
          %bitcast3A_314 = vector.bitcast %gather3A_313 : vector<16xf32> to vector<16xi32>
          %add3A_315 = arith.constant 32767 : i32
          %add3A_316 = vector.broadcast %add3A_315 : i32 to vector<16xi32>
          %add3A_317 = arith.addi %bitcast3A_314, %add3A_316 : vector<16xi32>
          %shift_right_arithmetic3A_318 = arith.constant 16 : i32
          %shift_right_arithmetic3A_319 = vector.broadcast %shift_right_arithmetic3A_318 : i32 to vector<16xi32>
          %shift_right_arithmetic3A_320 = arith.shrsi %bitcast3A_314, %shift_right_arithmetic3A_319 : vector<16xi32>
          %and3A_321 = arith.constant 1 : i32
          %and3A_322 = vector.broadcast %and3A_321 : i32 to vector<16xi32>
          %and3A_323 = arith.andi %shift_right_arithmetic3A_320, %and3A_322 : vector<16xi32>
          %add3A_324 = arith.addi %add3A_317, %and3A_323 : vector<16xi32>
          %and3A_325 = arith.constant -65536 : i32
          %and3A_326 = vector.broadcast %and3A_325 : i32 to vector<16xi32>
          %and3A_327 = arith.andi %add3A_324, %and3A_326 : vector<16xi32>
          %bitcast3A_328 = vector.bitcast %and3A_327 : vector<16xi32> to vector<16xf32>
          %mul3A_329 = arith.mulf %bitcast3A_230, %bitcast3A_328 : vector<16xf32>
          %add3A_330 = arith.addf %scan3A_211, %mul3A_329 : vector<16xf32>
          scf.yield %add3A_255, %add3A_280, %add3A_305, %add3A_330 : vector<16xf32>, vector<16xf32>, vector<16xf32>, vector<16xf32>
        }
        %scan3A_98 = arith.constant 10 : i32
        %mul3A_99 = arith.constant 0.316227764 : f32
        %mul3A_100 = vector.broadcast %mul3A_99 : f32 to vector<16xf32>
        %mul3A_101 = arith.mulf %scan3A_97#0, %mul3A_100 : vector<16xf32>
        %mul3A_102 = arith.constant 0.316227764 : f32
        %mul3A_103 = vector.broadcast %mul3A_102 : f32 to vector<16xf32>
        %mul3A_104 = arith.mulf %scan3A_97#1, %mul3A_103 : vector<16xf32>
        %mul3A_105 = arith.constant 0.316227764 : f32
        %mul3A_106 = vector.broadcast %mul3A_105 : f32 to vector<16xf32>
        %mul3A_107 = arith.mulf %scan3A_97#2, %mul3A_106 : vector<16xf32>
        %mul3A_108 = arith.constant 0.316227764 : f32
        %mul3A_109 = vector.broadcast %mul3A_108 : f32 to vector<16xf32>
        %mul3A_110 = arith.mulf %scan3A_97#3, %mul3A_109 : vector<16xf32>
        %max3A = arith.maximumf %mul3A_101, %mul3A_104 : vector<16xf32>
        %max3A_111 = arith.maximumf %mul3A_107, %mul3A_110 : vector<16xf32>
        %max3A_112 = arith.maximumf %max3A, %max3A_111 : vector<16xf32>
        %reduce_max3A = arith.constant true
        %reduce_max3A_113 = vector.broadcast %reduce_max3A : i1 to vector<16xi1>
        %reduce_max3A_114 = tpu.scan <max>, %max3A_112 masked %reduce_max3A_113 : vector<16xf32>, vector<16xi1> -> vector<16xf32>
        %reduce_max3A_115 = vector.extract %reduce_max3A_114[15] : f32 from vector<16xf32>
        %add3A_116 = arith.constant 0 : i32
        %add3A_117 = vector.broadcast %add3A_116 : i32 to vector<16xi32>
        %add3A_118 = arith.addi %iota3A, %add3A_117 : vector<16xi32>
        %lt3A_119 = arith.constant 50 : i32
        %lt3A_120 = vector.broadcast %lt3A_119 : i32 to vector<16xi32>
        %lt3A_121 = arith.cmpi slt, %add3A_118, %lt3A_120 : vector<16xi32>
        %sub3A = vector.broadcast %reduce_max3A_115 : f32 to vector<16xf32>
        %sub3A_122 = arith.subf %mul3A_101, %sub3A : vector<16xf32>
        %exp3A = math.exp %sub3A_122 : vector<16xf32>
        %jit3A = arith.constant 0.000000e+00 : f32
        %broadcast_in_dim3A_123 = vector.broadcast %jit3A : f32 to vector<16xf32>
        %select_n3A = arith.select %lt3A_121, %exp3A, %broadcast_in_dim3A_123 : vector<16xi1>, vector<16xf32>
        %add3A_124 = arith.constant 16 : i32
        %add3A_125 = vector.broadcast %add3A_124 : i32 to vector<16xi32>
        %add3A_126 = arith.addi %iota3A, %add3A_125 : vector<16xi32>
        %lt3A_127 = arith.constant 50 : i32
        %lt3A_128 = vector.broadcast %lt3A_127 : i32 to vector<16xi32>
        %lt3A_129 = arith.cmpi slt, %add3A_126, %lt3A_128 : vector<16xi32>
        %sub3A_130 = vector.broadcast %reduce_max3A_115 : f32 to vector<16xf32>
        %sub3A_131 = arith.subf %mul3A_104, %sub3A_130 : vector<16xf32>
        %exp3A_132 = math.exp %sub3A_131 : vector<16xf32>
        %jit3A_133 = arith.constant 0.000000e+00 : f32
        %broadcast_in_dim3A_134 = vector.broadcast %jit3A_133 : f32 to vector<16xf32>
        %select_n3A_135 = arith.select %lt3A_129, %exp3A_132, %broadcast_in_dim3A_134 : vector<16xi1>, vector<16xf32>
        %add3A_136 = arith.constant 32 : i32
        %add3A_137 = vector.broadcast %add3A_136 : i32 to vector<16xi32>
        %add3A_138 = arith.addi %iota3A, %add3A_137 : vector<16xi32>
        %lt3A_139 = arith.constant 50 : i32
        %lt3A_140 = vector.broadcast %lt3A_139 : i32 to vector<16xi32>
        %lt3A_141 = arith.cmpi slt, %add3A_138, %lt3A_140 : vector<16xi32>
        %sub3A_142 = vector.broadcast %reduce_max3A_115 : f32 to vector<16xf32>
        %sub3A_143 = arith.subf %mul3A_107, %sub3A_142 : vector<16xf32>
        %exp3A_144 = math.exp %sub3A_143 : vector<16xf32>
        %jit3A_145 = arith.constant 0.000000e+00 : f32
        %broadcast_in_dim3A_146 = vector.broadcast %jit3A_145 : f32 to vector<16xf32>
        %select_n3A_147 = arith.select %lt3A_141, %exp3A_144, %broadcast_in_dim3A_146 : vector<16xi1>, vector<16xf32>
        %add3A_148 = arith.constant 48 : i32
        %add3A_149 = vector.broadcast %add3A_148 : i32 to vector<16xi32>
        %add3A_150 = arith.addi %iota3A, %add3A_149 : vector<16xi32>
        %lt3A_151 = arith.constant 50 : i32
        %lt3A_152 = vector.broadcast %lt3A_151 : i32 to vector<16xi32>
        %lt3A_153 = arith.cmpi slt, %add3A_150, %lt3A_152 : vector<16xi32>
        %sub3A_154 = vector.broadcast %reduce_max3A_115 : f32 to vector<16xf32>
        %sub3A_155 = arith.subf %mul3A_110, %sub3A_154 : vector<16xf32>
        %exp3A_156 = math.exp %sub3A_155 : vector<16xf32>
        %jit3A_157 = arith.constant 0.000000e+00 : f32
        %broadcast_in_dim3A_158 = vector.broadcast %jit3A_157 : f32 to vector<16xf32>
        %select_n3A_159 = arith.select %lt3A_153, %exp3A_156, %broadcast_in_dim3A_158 : vector<16xi1>, vector<16xf32>
        %add3A_160 = arith.addf %select_n3A, %select_n3A_135 : vector<16xf32>
        %add3A_161 = arith.addf %add3A_160, %select_n3A_147 : vector<16xf32>
        %add3A_162 = arith.addf %add3A_161, %select_n3A_159 : vector<16xf32>
        %reduce_sum3A = arith.constant true
        %reduce_sum3A_163 = vector.broadcast %reduce_sum3A : i1 to vector<16xi1>
        %reduce_sum3A_164 = tpu.scan <sum>, %add3A_162 masked %reduce_sum3A_163 : vector<16xf32>, vector<16xi1> -> vector<16xf32>
        %reduce_sum3A_165 = vector.extract %reduce_sum3A_164[15] : f32 from vector<16xf32>
        %broadcast_in_dim3A_166 = arith.constant 1.000000e+00 : f32
        %broadcast_in_dim3A_167 = vector.broadcast %broadcast_in_dim3A_166 : f32 to vector<16xf32>
        %broadcast_in_dim3A_168 = vector.broadcast %reduce_sum3A_165 : f32 to vector<16xf32>
        %div3A = arith.divf %broadcast_in_dim3A_167, %broadcast_in_dim3A_168 : vector<16xf32>
        %mul3A_169 = arith.mulf %select_n3A, %div3A : vector<16xf32>
        %mul3A_170 = arith.mulf %select_n3A_135, %div3A : vector<16xf32>
        %mul3A_171 = arith.mulf %select_n3A_147, %div3A : vector<16xf32>
        %mul3A_172 = arith.mulf %select_n3A_159, %div3A : vector<16xf32>
        %swap3A_173 = arith.constant 16 : index
        %swap3A_174 = tpu.vector_load %arg9[%swap3A_173] {strides = array<i32>} : memref<80xf32, #tpu.memory_space<vmem>>, vector<16xf32>,
        tpu.vector_store %arg9[%swap3A_173], %mul3A_169 {strides = array<i32>} : memref<80xf32, #tpu.memory_space<vmem>>, vector<16xf32>,
        %swap3A_175 = arith.constant 32 : index
        %swap3A_176 = tpu.vector_load %arg9[%swap3A_175] {strides = array<i32>} : memref<80xf32, #tpu.memory_space<vmem>>, vector<16xf32>,
        tpu.vector_store %arg9[%swap3A_175], %mul3A_170 {strides = array<i32>} : memref<80xf32, #tpu.memory_space<vmem>>, vector<16xf32>,
        %swap3A_177 = arith.constant 48 : index
        %swap3A_178 = tpu.vector_load %arg9[%swap3A_177] {strides = array<i32>} : memref<80xf32, #tpu.memory_space<vmem>>, vector<16xf32>,
        tpu.vector_store %arg9[%swap3A_177], %mul3A_171 {strides = array<i32>} : memref<80xf32, #tpu.memory_space<vmem>>, vector<16xf32>,
        %swap3A_179 = arith.constant 64 : index
        %swap3A_180 = tpu.vector_load %arg9[%swap3A_179] {strides = array<i32>} : memref<80xf32, #tpu.memory_space<vmem>>, vector<16xf32>,
        tpu.vector_store %arg9[%swap3A_179], %mul3A_172 {strides = array<i32>} : memref<80xf32, #tpu.memory_space<vmem>>, vector<16xf32>,
        %dma_wait3A = arith.constant 0 : i32
        %dma_wait3A_181 = tpu.memref_slice %arg8[%dma_wait3A] : memref<64xi32, #tpu.memory_space<vmem>> -> memref<56xi32, #tpu.memory_space<vmem>>
        %dma_wait3A_182 = arith.constant 0 : i32
        %dma_wait3A_183 = arith.constant 0 : i32
        %dma_wait3A_184 = tpu.memref_slice %arg3[%dma_wait3A_182, %dma_wait3A_183] : memref<5050x64xf32, #tpu.memory_space<hbm>> -> memref<5050x64xf32, #tpu.memory_space<hbm>>
        tpu.wait_indirect_dma semaphore(%arg14 : memref<!tpu.dma_semaphore, #tpu.memory_space<semaphore_mem>>) src(%dma_wait3A_184 : memref<5050x64xf32, #tpu.memory_space<hbm>>) dst(%arg10 : memref<56x64xf32, #tpu.memory_space<vmem>>)
        %broadcast_in_dim3A_185 = arith.constant 0.000000e+00 : f32
        %broadcast_in_dim3A_186 = vector.broadcast %broadcast_in_dim3A_185 : f32 to vector<16xf32>
        %broadcast_in_dim3A_187 = arith.constant 0.000000e+00 : f32
        %broadcast_in_dim3A_188 = vector.broadcast %broadcast_in_dim3A_187 : f32 to vector<16xf32>
        %broadcast_in_dim3A_189 = arith.constant 0.000000e+00 : f32
        %broadcast_in_dim3A_190 = vector.broadcast %broadcast_in_dim3A_189 : f32 to vector<16xf32>
        %broadcast_in_dim3A_191 = arith.constant 0.000000e+00 : f32
        %broadcast_in_dim3A_192 = vector.broadcast %broadcast_in_dim3A_191 : f32 to vector<16xf32>
        %scan3A_193 = arith.constant 0 : i32
        %scan3A_194 = arith.constant 50 : i32
        %scan3A_195 = arith.addi %scan3A_193, %scan3A_194 : i32
        %scan3A_196 = arith.constant 1 : i32
        %scan3A_197:4 = scf.for %scan3A_207 = %scan3A_193 to %scan3A_195 step %scan3A_196 iter_args(%scan3A_208 = %broadcast_in_dim3A_186, %scan3A_209 = %broadcast_in_dim3A_188, %scan3A_210 = %broadcast_in_dim3A_190, %scan3A_211 = %broadcast_in_dim3A_192) -> (vector<16xf32>, vector<16xf32>, vector<16xf32>, vector<16xf32>)  : i32 {
          %mul3A_212 = arith.constant 0 : i32
          %mul3A_213 = vector.broadcast %mul3A_212 : i32 to vector<16xi32>
          %mul3A_214 = arith.muli %iota3A, %mul3A_213 : vector<16xi32>
          %add3A_215 = arith.constant 16 : i32
          %add3A_216 = arith.addi %add3A_215, %scan3A_207 : i32
          %add3A_217 = vector.broadcast %add3A_216 : i32 to vector<16xi32>
          %add3A_218 = arith.addi %mul3A_214, %add3A_217 : vector<16xi32>
          %gather3A = tpu.vector_load_idx %arg9[%add3A_218] : memref<80xf32, #tpu.memory_space<vmem>>[vector<16xi32>], vector<16xf32>,
          %bitcast3A = vector.bitcast %gather3A : vector<16xf32> to vector<16xi32>
          %add3A_219 = arith.constant 32767 : i32
          %add3A_220 = vector.broadcast %add3A_219 : i32 to vector<16xi32>
          %add3A_221 = arith.addi %bitcast3A, %add3A_220 : vector<16xi32>
          %shift_right_arithmetic3A = arith.constant 16 : i32
          %shift_right_arithmetic3A_222 = vector.broadcast %shift_right_arithmetic3A : i32 to vector<16xi32>
          %shift_right_arithmetic3A_223 = arith.shrsi %bitcast3A, %shift_right_arithmetic3A_222 : vector<16xi32>
          %and3A = arith.constant 1 : i32
          %and3A_224 = vector.broadcast %and3A : i32 to vector<16xi32>
          %and3A_225 = arith.andi %shift_right_arithmetic3A_223, %and3A_224 : vector<16xi32>
          %add3A_226 = arith.addi %add3A_221, %and3A_225 : vector<16xi32>
          %and3A_227 = arith.constant -65536 : i32
          %and3A_228 = vector.broadcast %and3A_227 : i32 to vector<16xi32>
          %and3A_229 = arith.andi %add3A_226, %and3A_228 : vector<16xi32>
          %bitcast3A_230 = vector.bitcast %and3A_229 : vector<16xi32> to vector<16xf32>
          %broadcast_in_dim3A_231 = arith.constant 0 : i32
          %broadcast_in_dim3A_232 = vector.broadcast %broadcast_in_dim3A_231 : i32 to vector<16xi32>
          %add3A_233 = vector.broadcast %scan3A_207 : i32 to vector<16xi32>
          %add3A_234 = arith.addi %broadcast_in_dim3A_232, %add3A_233 : vector<16xi32>
          %add3A_235 = arith.constant 0 : i32
          %add3A_236 = vector.broadcast %add3A_235 : i32 to vector<16xi32>
          %add3A_237 = arith.addi %iota3A, %add3A_236 : vector<16xi32>
          %gather3A_238 = tpu.vector_load_idx %arg10[%add3A_234, %add3A_237] : memref<56x64xf32, #tpu.memory_space<vmem>>[vector<16xi32>, vector<16xi32>], vector<16xf32>,
          %bitcast3A_239 = vector.bitcast %gather3A_238 : vector<16xf32> to vector<16xi32>
          %add3A_240 = arith.constant 32767 : i32
          %add3A_241 = vector.broadcast %add3A_240 : i32 to vector<16xi32>
          %add3A_242 = arith.addi %bitcast3A_239, %add3A_241 : vector<16xi32>
          %shift_right_arithmetic3A_243 = arith.constant 16 : i32
          %shift_right_arithmetic3A_244 = vector.broadcast %shift_right_arithmetic3A_243 : i32 to vector<16xi32>
          %shift_right_arithmetic3A_245 = arith.shrsi %bitcast3A_239, %shift_right_arithmetic3A_244 : vector<16xi32>
          %and3A_246 = arith.constant 1 : i32
          %and3A_247 = vector.broadcast %and3A_246 : i32 to vector<16xi32>
          %and3A_248 = arith.andi %shift_right_arithmetic3A_245, %and3A_247 : vector<16xi32>
          %add3A_249 = arith.addi %add3A_242, %and3A_248 : vector<16xi32>
          %and3A_250 = arith.constant -65536 : i32
          %and3A_251 = vector.broadcast %and3A_250 : i32 to vector<16xi32>
          %and3A_252 = arith.andi %add3A_249, %and3A_251 : vector<16xi32>
          %bitcast3A_253 = vector.bitcast %and3A_252 : vector<16xi32> to vector<16xf32>
          %mul3A_254 = arith.mulf %bitcast3A_230, %bitcast3A_253 : vector<16xf32>
          %add3A_255 = arith.addf %scan3A_208, %mul3A_254 : vector<16xf32>
          %broadcast_in_dim3A_256 = arith.constant 0 : i32
          %broadcast_in_dim3A_257 = vector.broadcast %broadcast_in_dim3A_256 : i32 to vector<16xi32>
          %add3A_258 = vector.broadcast %scan3A_207 : i32 to vector<16xi32>
          %add3A_259 = arith.addi %broadcast_in_dim3A_257, %add3A_258 : vector<16xi32>
          %add3A_260 = arith.constant 16 : i32
          %add3A_261 = vector.broadcast %add3A_260 : i32 to vector<16xi32>
          %add3A_262 = arith.addi %iota3A, %add3A_261 : vector<16xi32>
          %gather3A_263 = tpu.vector_load_idx %arg10[%add3A_259, %add3A_262] : memref<56x64xf32, #tpu.memory_space<vmem>>[vector<16xi32>, vector<16xi32>], vector<16xf32>,
          %bitcast3A_264 = vector.bitcast %gather3A_263 : vector<16xf32> to vector<16xi32>
          %add3A_265 = arith.constant 32767 : i32
          %add3A_266 = vector.broadcast %add3A_265 : i32 to vector<16xi32>
          %add3A_267 = arith.addi %bitcast3A_264, %add3A_266 : vector<16xi32>
          %shift_right_arithmetic3A_268 = arith.constant 16 : i32
          %shift_right_arithmetic3A_269 = vector.broadcast %shift_right_arithmetic3A_268 : i32 to vector<16xi32>
          %shift_right_arithmetic3A_270 = arith.shrsi %bitcast3A_264, %shift_right_arithmetic3A_269 : vector<16xi32>
          %and3A_271 = arith.constant 1 : i32
          %and3A_272 = vector.broadcast %and3A_271 : i32 to vector<16xi32>
          %and3A_273 = arith.andi %shift_right_arithmetic3A_270, %and3A_272 : vector<16xi32>
          %add3A_274 = arith.addi %add3A_267, %and3A_273 : vector<16xi32>
          %and3A_275 = arith.constant -65536 : i32
          %and3A_276 = vector.broadcast %and3A_275 : i32 to vector<16xi32>
          %and3A_277 = arith.andi %add3A_274, %and3A_276 : vector<16xi32>
          %bitcast3A_278 = vector.bitcast %and3A_277 : vector<16xi32> to vector<16xf32>
          %mul3A_279 = arith.mulf %bitcast3A_230, %bitcast3A_278 : vector<16xf32>
          %add3A_280 = arith.addf %scan3A_209, %mul3A_279 : vector<16xf32>
          %broadcast_in_dim3A_281 = arith.constant 0 : i32
          %broadcast_in_dim3A_282 = vector.broadcast %broadcast_in_dim3A_281 : i32 to vector<16xi32>
          %add3A_283 = vector.broadcast %scan3A_207 : i32 to vector<16xi32>
          %add3A_284 = arith.addi %broadcast_in_dim3A_282, %add3A_283 : vector<16xi32>
          %add3A_285 = arith.constant 32 : i32
          %add3A_286 = vector.broadcast %add3A_285 : i32 to vector<16xi32>
          %add3A_287 = arith.addi %iota3A, %add3A_286 : vector<16xi32>
          %gather3A_288 = tpu.vector_load_idx %arg10[%add3A_284, %add3A_287] : memref<56x64xf32, #tpu.memory_space<vmem>>[vector<16xi32>, vector<16xi32>], vector<16xf32>,
          %bitcast3A_289 = vector.bitcast %gather3A_288 : vector<16xf32> to vector<16xi32>
          %add3A_290 = arith.constant 32767 : i32
          %add3A_291 = vector.broadcast %add3A_290 : i32 to vector<16xi32>
          %add3A_292 = arith.addi %bitcast3A_289, %add3A_291 : vector<16xi32>
          %shift_right_arithmetic3A_293 = arith.constant 16 : i32
          %shift_right_arithmetic3A_294 = vector.broadcast %shift_right_arithmetic3A_293 : i32 to vector<16xi32>
          %shift_right_arithmetic3A_295 = arith.shrsi %bitcast3A_289, %shift_right_arithmetic3A_294 : vector<16xi32>
          %and3A_296 = arith.constant 1 : i32
          %and3A_297 = vector.broadcast %and3A_296 : i32 to vector<16xi32>
          %and3A_298 = arith.andi %shift_right_arithmetic3A_295, %and3A_297 : vector<16xi32>
          %add3A_299 = arith.addi %add3A_292, %and3A_298 : vector<16xi32>
          %and3A_300 = arith.constant -65536 : i32
          %and3A_301 = vector.broadcast %and3A_300 : i32 to vector<16xi32>
          %and3A_302 = arith.andi %add3A_299, %and3A_301 : vector<16xi32>
          %bitcast3A_303 = vector.bitcast %and3A_302 : vector<16xi32> to vector<16xf32>
          %mul3A_304 = arith.mulf %bitcast3A_230, %bitcast3A_303 : vector<16xf32>
          %add3A_305 = arith.addf %scan3A_210, %mul3A_304 : vector<16xf32>
          %broadcast_in_dim3A_306 = arith.constant 0 : i32
          %broadcast_in_dim3A_307 = vector.broadcast %broadcast_in_dim3A_306 : i32 to vector<16xi32>
          %add3A_308 = vector.broadcast %scan3A_207 : i32 to vector<16xi32>
          %add3A_309 = arith.addi %broadcast_in_dim3A_307, %add3A_308 : vector<16xi32>
          %add3A_310 = arith.constant 48 : i32
          %add3A_311 = vector.broadcast %add3A_310 : i32 to vector<16xi32>
          %add3A_312 = arith.addi %iota3A, %add3A_311 : vector<16xi32>
          %gather3A_313 = tpu.vector_load_idx %arg10[%add3A_309, %add3A_312] : memref<56x64xf32, #tpu.memory_space<vmem>>[vector<16xi32>, vector<16xi32>], vector<16xf32>,
          %bitcast3A_314 = vector.bitcast %gather3A_313 : vector<16xf32> to vector<16xi32>
          %add3A_315 = arith.constant 32767 : i32
          %add3A_316 = vector.broadcast %add3A_315 : i32 to vector<16xi32>
          %add3A_317 = arith.addi %bitcast3A_314, %add3A_316 : vector<16xi32>
          %shift_right_arithmetic3A_318 = arith.constant 16 : i32
          %shift_right_arithmetic3A_319 = vector.broadcast %shift_right_arithmetic3A_318 : i32 to vector<16xi32>
          %shift_right_arithmetic3A_320 = arith.shrsi %bitcast3A_314, %shift_right_arithmetic3A_319 : vector<16xi32>
          %and3A_321 = arith.constant 1 : i32
          %and3A_322 = vector.broadcast %and3A_321 : i32 to vector<16xi32>
          %and3A_323 = arith.andi %shift_right_arithmetic3A_320, %and3A_322 : vector<16xi32>
          %add3A_324 = arith.addi %add3A_317, %and3A_323 : vector<16xi32>
          %and3A_325 = arith.constant -65536 : i32
          %and3A_326 = vector.broadcast %and3A_325 : i32 to vector<16xi32>
          %and3A_327 = arith.andi %add3A_324, %and3A_326 : vector<16xi32>
          %bitcast3A_328 = vector.bitcast %and3A_327 : vector<16xi32> to vector<16xf32>
          %mul3A_329 = arith.mulf %bitcast3A_230, %bitcast3A_328 : vector<16xf32>
          %add3A_330 = arith.addf %scan3A_211, %mul3A_329 : vector<16xf32>
          scf.yield %add3A_255, %add3A_280, %add3A_305, %add3A_330 : vector<16xf32>, vector<16xf32>, vector<16xf32>, vector<16xf32>
        }
        %scan3A_198 = arith.constant 50 : i32
        %swap3A_199 = arith.constant 0 : index
        %swap3A_200 = tpu.vector_load %arg13[%swap3A_199] {strides = array<i32>} : memref<64xf32, #tpu.memory_space<vmem>>, vector<16xf32>,
        tpu.vector_store %arg13[%swap3A_199], %scan3A_197#0 {strides = array<i32>} : memref<64xf32, #tpu.memory_space<vmem>>, vector<16xf32>,
        %swap3A_201 = arith.constant 16 : index
        %swap3A_202 = tpu.vector_load %arg13[%swap3A_201] {strides = array<i32>} : memref<64xf32, #tpu.memory_space<vmem>>, vector<16xf32>,
        tpu.vector_store %arg13[%swap3A_201], %scan3A_197#1 {strides = array<i32>} : memref<64xf32, #tpu.memory_space<vmem>>, vector<16xf32>,
        %swap3A_203 = arith.constant 32 : index
        %swap3A_204 = tpu.vector_load %arg13[%swap3A_203] {strides = array<i32>} : memref<64xf32, #tpu.memory_space<vmem>>, vector<16xf32>,
        tpu.vector_store %arg13[%swap3A_203], %scan3A_197#2 {strides = array<i32>} : memref<64xf32, #tpu.memory_space<vmem>>, vector<16xf32>,
        %swap3A_205 = arith.constant 48 : index
        %swap3A_206 = tpu.vector_load %arg13[%swap3A_205] {strides = array<i32>} : memref<64xf32, #tpu.memory_space<vmem>>, vector<16xf32>,
        tpu.vector_store %arg13[%swap3A_205], %scan3A_197#3 {strides = array<i32>} : memref<64xf32, #tpu.memory_space<vmem>>, vector<16xf32>,
        "tpu.region"() ({
          %run_scoped3A = tpu.sem_alloc : memref<!tpu.dma_semaphore, #tpu.memory_space<semaphore_mem>>
          %dma_start3A_207 = arith.constant 0 : i32
          %dma_start3A_208 = tpu.memref_slice %arg13[%dma_start3A_207] : memref<64xf32, #tpu.memory_space<vmem>> -> memref<64xf32, #tpu.memory_space<vmem>>
          %dma_start3A_209 = arith.constant 0 : i32
          %dma_start3A_210 = tpu.memref_slice %arg6[%dma_start3A_209] : memref<160xf32, #tpu.memory_space<hbm>> -> memref<64xf32, #tpu.memory_space<hbm>>
          %dma_start3A_211 = arith.constant 0 : i32
          %dma_start3A_212 = tpu.memref_slice %arg6[%dma_start3A_211] : memref<160xf32, #tpu.memory_space<hbm>> -> memref<64xf32, #tpu.memory_space<hbm>>
          %dma_start3A_213 = arith.constant 0 : i32
          %dma_start3A_214 = tpu.memref_slice %arg13[%dma_start3A_213] : memref<64xf32, #tpu.memory_space<vmem>> -> memref<64xf32, #tpu.memory_space<vmem>>
          tpu.enqueue_dma source(%dma_start3A_214 : memref<64xf32, #tpu.memory_space<vmem>>) target(%dma_start3A_212 : memref<64xf32, #tpu.memory_space<hbm>>) target_semaphore(%run_scoped3A : memref<!tpu.dma_semaphore, #tpu.memory_space<semaphore_mem>>)
          %dma_wait3A_215 = arith.constant 0 : i32
          %dma_wait3A_216 = tpu.memref_slice %arg13[%dma_wait3A_215] : memref<64xf32, #tpu.memory_space<vmem>> -> memref<64xf32, #tpu.memory_space<vmem>>
          %dma_wait3A_217 = arith.constant 0 : i32
          %dma_wait3A_218 = tpu.memref_slice %arg6[%dma_wait3A_217] : memref<160xf32, #tpu.memory_space<hbm>> -> memref<64xf32, #tpu.memory_space<hbm>>
          %dma_wait3A_219 = arith.constant 0 : i32
          %dma_wait3A_220 = tpu.memref_slice %arg6[%dma_wait3A_219] : memref<160xf32, #tpu.memory_space<hbm>> -> memref<64xf32, #tpu.memory_space<hbm>>
          %dma_wait3A_221 = arith.constant 0 : i32
          %dma_wait3A_222 = tpu.memref_slice %arg13[%dma_wait3A_221] : memref<64xf32, #tpu.memory_space<vmem>> -> memref<64xf32, #tpu.memory_space<vmem>>
          tpu.wait_dma2 semaphore(%run_scoped3A : memref<!tpu.dma_semaphore, #tpu.memory_space<semaphore_mem>>) src(%dma_wait3A_222 : memref<64xf32, #tpu.memory_space<vmem>>) dst(%dma_wait3A_220 : memref<64xf32, #tpu.memory_space<hbm>>)
          tpu.yield
        }) : () -> ()
      } else {
      }
      %eq3A_55 = arith.constant 1 : i32
      %eq3A_56 = arith.cmpi eq, %arg1, %eq3A_55 : i32
      %convert_element_type3A_57 = arith.extui %eq3A_56 : i1 to i32
      %cond3A_58 = arith.constant 0 : i32
      %cond3A_59 = arith.cmpi ne, %convert_element_type3A_57, %cond3A_58 : i32
      scf.if %cond3A_59 {
        %dma_start3A = arith.constant 0 : i32
        %dma_start3A_65 = tpu.memref_slice %arg8[%dma_start3A] : memref<64xi32, #tpu.memory_space<vmem>> -> memref<56xi32, #tpu.memory_space<vmem>>
        %dma_start3A_66 = arith.constant 0 : i32
        %dma_start3A_67 = arith.constant 0 : i32
        %dma_start3A_68 = tpu.memref_slice %arg4[%dma_start3A_66, %dma_start3A_67] : memref<5050x48xf32, #tpu.memory_space<hbm>> -> memref<5050x48xf32, #tpu.memory_space<hbm>>
        tpu.enqueue_indirect_dma source(%dma_start3A_68 : memref<5050x48xf32, #tpu.memory_space<hbm>>) target(%arg11 : memref<56x48xf32, #tpu.memory_space<vmem>>) offsets(%dma_start3A_65 : memref<56xi32, #tpu.memory_space<vmem>>) semaphore(%arg14 : memref<!tpu.dma_semaphore, #tpu.memory_space<semaphore_mem>>)
        %add3A_69 = arith.constant 0 : i32
        %add3A_70 = vector.broadcast %add3A_69 : i32 to vector<16xi32>
        %add3A_71 = arith.addi %iota3A, %add3A_70 : vector<16xi32>
        %min3A_72 = arith.constant 49 : i32
        %min3A_73 = vector.broadcast %min3A_72 : i32 to vector<16xi32>
        %min3A_74 = arith.minsi %add3A_71, %min3A_73 : vector<16xi32>
        %add3A_75 = arith.constant 16 : i32
        %add3A_76 = vector.broadcast %add3A_75 : i32 to vector<16xi32>
        %add3A_77 = arith.addi %iota3A, %add3A_76 : vector<16xi32>
        %min3A_78 = arith.constant 49 : i32
        %min3A_79 = vector.broadcast %min3A_78 : i32 to vector<16xi32>
        %min3A_80 = arith.minsi %add3A_77, %min3A_79 : vector<16xi32>
        %add3A_81 = arith.constant 32 : i32
        %add3A_82 = vector.broadcast %add3A_81 : i32 to vector<16xi32>
        %add3A_83 = arith.addi %iota3A, %add3A_82 : vector<16xi32>
        %min3A_84 = arith.constant 49 : i32
        %min3A_85 = vector.broadcast %min3A_84 : i32 to vector<16xi32>
        %min3A_86 = arith.minsi %add3A_83, %min3A_85 : vector<16xi32>
        %add3A_87 = arith.constant 48 : i32
        %add3A_88 = vector.broadcast %add3A_87 : i32 to vector<16xi32>
        %add3A_89 = arith.addi %iota3A, %add3A_88 : vector<16xi32>
        %min3A_90 = arith.constant 49 : i32
        %min3A_91 = vector.broadcast %min3A_90 : i32 to vector<16xi32>
        %min3A_92 = arith.minsi %add3A_89, %min3A_91 : vector<16xi32>
        %broadcast_in_dim3A = arith.constant 0.000000e+00 : f32
        %broadcast_in_dim3A_93 = vector.broadcast %broadcast_in_dim3A : f32 to vector<16xf32>
        %scan3A = arith.constant 0 : i32
        %scan3A_94 = arith.constant 10 : i32
        %scan3A_95 = arith.addi %scan3A, %scan3A_94 : i32
        %scan3A_96 = arith.constant 1 : i32
        %scan3A_97:4 = scf.for %scan3A_203 = %scan3A to %scan3A_95 step %scan3A_96 iter_args(%scan3A_204 = %broadcast_in_dim3A_93, %scan3A_205 = %broadcast_in_dim3A_93, %scan3A_206 = %broadcast_in_dim3A_93, %scan3A_207 = %broadcast_in_dim3A_93) -> (vector<16xf32>, vector<16xf32>, vector<16xf32>, vector<16xf32>)  : i32 {
          %mul3A_208 = arith.constant 0 : i32
          %mul3A_209 = vector.broadcast %mul3A_208 : i32 to vector<16xi32>
          %mul3A_210 = arith.muli %iota3A, %mul3A_209 : vector<16xi32>
          %add3A_211 = arith.constant 17 : i32
          %add3A_212 = arith.addi %add3A_211, %scan3A_203 : i32
          %add3A_213 = vector.broadcast %add3A_212 : i32 to vector<16xi32>
          %add3A_214 = arith.addi %mul3A_210, %add3A_213 : vector<16xi32>
          %gather3A = tpu.vector_load_idx %arg7[%add3A_214] : memref<532xf32, #tpu.memory_space<vmem>>[vector<16xi32>], vector<16xf32>,
          %bitcast3A = vector.bitcast %gather3A : vector<16xf32> to vector<16xi32>
          %add3A_215 = arith.constant 32767 : i32
          %add3A_216 = vector.broadcast %add3A_215 : i32 to vector<16xi32>
          %add3A_217 = arith.addi %bitcast3A, %add3A_216 : vector<16xi32>
          %shift_right_arithmetic3A = arith.constant 16 : i32
          %shift_right_arithmetic3A_218 = vector.broadcast %shift_right_arithmetic3A : i32 to vector<16xi32>
          %shift_right_arithmetic3A_219 = arith.shrsi %bitcast3A, %shift_right_arithmetic3A_218 : vector<16xi32>
          %and3A = arith.constant 1 : i32
          %and3A_220 = vector.broadcast %and3A : i32 to vector<16xi32>
          %and3A_221 = arith.andi %shift_right_arithmetic3A_219, %and3A_220 : vector<16xi32>
          %add3A_222 = arith.addi %add3A_217, %and3A_221 : vector<16xi32>
          %and3A_223 = arith.constant -65536 : i32
          %and3A_224 = vector.broadcast %and3A_223 : i32 to vector<16xi32>
          %and3A_225 = arith.andi %add3A_222, %and3A_224 : vector<16xi32>
          %bitcast3A_226 = vector.bitcast %and3A_225 : vector<16xi32> to vector<16xf32>
          %mul3A_227 = arith.constant 10 : i32
          %mul3A_228 = vector.broadcast %mul3A_227 : i32 to vector<16xi32>
          %mul3A_229 = arith.muli %min3A_74, %mul3A_228 : vector<16xi32>
          %add3A_230 = arith.constant 32 : i32
          %add3A_231 = arith.addi %add3A_230, %scan3A_203 : i32
          %add3A_232 = vector.broadcast %add3A_231 : i32 to vector<16xi32>
          %add3A_233 = arith.addi %mul3A_229, %add3A_232 : vector<16xi32>
          %gather3A_234 = tpu.vector_load_idx %arg7[%add3A_233] : memref<532xf32, #tpu.memory_space<vmem>>[vector<16xi32>], vector<16xf32>,
          %bitcast3A_235 = vector.bitcast %gather3A_234 : vector<16xf32> to vector<16xi32>
          %add3A_236 = arith.constant 32767 : i32
          %add3A_237 = vector.broadcast %add3A_236 : i32 to vector<16xi32>
          %add3A_238 = arith.addi %bitcast3A_235, %add3A_237 : vector<16xi32>
          %shift_right_arithmetic3A_239 = arith.constant 16 : i32
          %shift_right_arithmetic3A_240 = vector.broadcast %shift_right_arithmetic3A_239 : i32 to vector<16xi32>
          %shift_right_arithmetic3A_241 = arith.shrsi %bitcast3A_235, %shift_right_arithmetic3A_240 : vector<16xi32>
          %and3A_242 = arith.constant 1 : i32
          %and3A_243 = vector.broadcast %and3A_242 : i32 to vector<16xi32>
          %and3A_244 = arith.andi %shift_right_arithmetic3A_241, %and3A_243 : vector<16xi32>
          %add3A_245 = arith.addi %add3A_238, %and3A_244 : vector<16xi32>
          %and3A_246 = arith.constant -65536 : i32
          %and3A_247 = vector.broadcast %and3A_246 : i32 to vector<16xi32>
          %and3A_248 = arith.andi %add3A_245, %and3A_247 : vector<16xi32>
          %bitcast3A_249 = vector.bitcast %and3A_248 : vector<16xi32> to vector<16xf32>
          %mul3A_250 = arith.mulf %bitcast3A_226, %bitcast3A_249 : vector<16xf32>
          %add3A_251 = arith.addf %scan3A_204, %mul3A_250 : vector<16xf32>
          %mul3A_252 = arith.constant 10 : i32
          %mul3A_253 = vector.broadcast %mul3A_252 : i32 to vector<16xi32>
          %mul3A_254 = arith.muli %min3A_80, %mul3A_253 : vector<16xi32>
          %add3A_255 = arith.constant 32 : i32
          %add3A_256 = arith.addi %add3A_255, %scan3A_203 : i32
          %add3A_257 = vector.broadcast %add3A_256 : i32 to vector<16xi32>
          %add3A_258 = arith.addi %mul3A_254, %add3A_257 : vector<16xi32>
          %gather3A_259 = tpu.vector_load_idx %arg7[%add3A_258] : memref<532xf32, #tpu.memory_space<vmem>>[vector<16xi32>], vector<16xf32>,
          %bitcast3A_260 = vector.bitcast %gather3A_259 : vector<16xf32> to vector<16xi32>
          %add3A_261 = arith.constant 32767 : i32
          %add3A_262 = vector.broadcast %add3A_261 : i32 to vector<16xi32>
          %add3A_263 = arith.addi %bitcast3A_260, %add3A_262 : vector<16xi32>
          %shift_right_arithmetic3A_264 = arith.constant 16 : i32
          %shift_right_arithmetic3A_265 = vector.broadcast %shift_right_arithmetic3A_264 : i32 to vector<16xi32>
          %shift_right_arithmetic3A_266 = arith.shrsi %bitcast3A_260, %shift_right_arithmetic3A_265 : vector<16xi32>
          %and3A_267 = arith.constant 1 : i32
          %and3A_268 = vector.broadcast %and3A_267 : i32 to vector<16xi32>
          %and3A_269 = arith.andi %shift_right_arithmetic3A_266, %and3A_268 : vector<16xi32>
          %add3A_270 = arith.addi %add3A_263, %and3A_269 : vector<16xi32>
          %and3A_271 = arith.constant -65536 : i32
          %and3A_272 = vector.broadcast %and3A_271 : i32 to vector<16xi32>
          %and3A_273 = arith.andi %add3A_270, %and3A_272 : vector<16xi32>
          %bitcast3A_274 = vector.bitcast %and3A_273 : vector<16xi32> to vector<16xf32>
          %mul3A_275 = arith.mulf %bitcast3A_226, %bitcast3A_274 : vector<16xf32>
          %add3A_276 = arith.addf %scan3A_205, %mul3A_275 : vector<16xf32>
          %mul3A_277 = arith.constant 10 : i32
          %mul3A_278 = vector.broadcast %mul3A_277 : i32 to vector<16xi32>
          %mul3A_279 = arith.muli %min3A_86, %mul3A_278 : vector<16xi32>
          %add3A_280 = arith.constant 32 : i32
          %add3A_281 = arith.addi %add3A_280, %scan3A_203 : i32
          %add3A_282 = vector.broadcast %add3A_281 : i32 to vector<16xi32>
          %add3A_283 = arith.addi %mul3A_279, %add3A_282 : vector<16xi32>
          %gather3A_284 = tpu.vector_load_idx %arg7[%add3A_283] : memref<532xf32, #tpu.memory_space<vmem>>[vector<16xi32>], vector<16xf32>,
          %bitcast3A_285 = vector.bitcast %gather3A_284 : vector<16xf32> to vector<16xi32>
          %add3A_286 = arith.constant 32767 : i32
          %add3A_287 = vector.broadcast %add3A_286 : i32 to vector<16xi32>
          %add3A_288 = arith.addi %bitcast3A_285, %add3A_287 : vector<16xi32>
          %shift_right_arithmetic3A_289 = arith.constant 16 : i32
          %shift_right_arithmetic3A_290 = vector.broadcast %shift_right_arithmetic3A_289 : i32 to vector<16xi32>
          %shift_right_arithmetic3A_291 = arith.shrsi %bitcast3A_285, %shift_right_arithmetic3A_290 : vector<16xi32>
          %and3A_292 = arith.constant 1 : i32
          %and3A_293 = vector.broadcast %and3A_292 : i32 to vector<16xi32>
          %and3A_294 = arith.andi %shift_right_arithmetic3A_291, %and3A_293 : vector<16xi32>
          %add3A_295 = arith.addi %add3A_288, %and3A_294 : vector<16xi32>
          %and3A_296 = arith.constant -65536 : i32
          %and3A_297 = vector.broadcast %and3A_296 : i32 to vector<16xi32>
          %and3A_298 = arith.andi %add3A_295, %and3A_297 : vector<16xi32>
          %bitcast3A_299 = vector.bitcast %and3A_298 : vector<16xi32> to vector<16xf32>
          %mul3A_300 = arith.mulf %bitcast3A_226, %bitcast3A_299 : vector<16xf32>
          %add3A_301 = arith.addf %scan3A_206, %mul3A_300 : vector<16xf32>
          %mul3A_302 = arith.constant 10 : i32
          %mul3A_303 = vector.broadcast %mul3A_302 : i32 to vector<16xi32>
          %mul3A_304 = arith.muli %min3A_92, %mul3A_303 : vector<16xi32>
          %add3A_305 = arith.constant 32 : i32
          %add3A_306 = arith.addi %add3A_305, %scan3A_203 : i32
          %add3A_307 = vector.broadcast %add3A_306 : i32 to vector<16xi32>
          %add3A_308 = arith.addi %mul3A_304, %add3A_307 : vector<16xi32>
          %gather3A_309 = tpu.vector_load_idx %arg7[%add3A_308] : memref<532xf32, #tpu.memory_space<vmem>>[vector<16xi32>], vector<16xf32>,
          %bitcast3A_310 = vector.bitcast %gather3A_309 : vector<16xf32> to vector<16xi32>
          %add3A_311 = arith.constant 32767 : i32
          %add3A_312 = vector.broadcast %add3A_311 : i32 to vector<16xi32>
          %add3A_313 = arith.addi %bitcast3A_310, %add3A_312 : vector<16xi32>
          %shift_right_arithmetic3A_314 = arith.constant 16 : i32
          %shift_right_arithmetic3A_315 = vector.broadcast %shift_right_arithmetic3A_314 : i32 to vector<16xi32>
          %shift_right_arithmetic3A_316 = arith.shrsi %bitcast3A_310, %shift_right_arithmetic3A_315 : vector<16xi32>
          %and3A_317 = arith.constant 1 : i32
          %and3A_318 = vector.broadcast %and3A_317 : i32 to vector<16xi32>
          %and3A_319 = arith.andi %shift_right_arithmetic3A_316, %and3A_318 : vector<16xi32>
          %add3A_320 = arith.addi %add3A_313, %and3A_319 : vector<16xi32>
          %and3A_321 = arith.constant -65536 : i32
          %and3A_322 = vector.broadcast %and3A_321 : i32 to vector<16xi32>
          %and3A_323 = arith.andi %add3A_320, %and3A_322 : vector<16xi32>
          %bitcast3A_324 = vector.bitcast %and3A_323 : vector<16xi32> to vector<16xf32>
          %mul3A_325 = arith.mulf %bitcast3A_226, %bitcast3A_324 : vector<16xf32>
          %add3A_326 = arith.addf %scan3A_207, %mul3A_325 : vector<16xf32>
          scf.yield %add3A_251, %add3A_276, %add3A_301, %add3A_326 : vector<16xf32>, vector<16xf32>, vector<16xf32>, vector<16xf32>
        }
        %scan3A_98 = arith.constant 10 : i32
        %mul3A_99 = arith.constant 0.316227764 : f32
        %mul3A_100 = vector.broadcast %mul3A_99 : f32 to vector<16xf32>
        %mul3A_101 = arith.mulf %scan3A_97#0, %mul3A_100 : vector<16xf32>
        %mul3A_102 = arith.constant 0.316227764 : f32
        %mul3A_103 = vector.broadcast %mul3A_102 : f32 to vector<16xf32>
        %mul3A_104 = arith.mulf %scan3A_97#1, %mul3A_103 : vector<16xf32>
        %mul3A_105 = arith.constant 0.316227764 : f32
        %mul3A_106 = vector.broadcast %mul3A_105 : f32 to vector<16xf32>
        %mul3A_107 = arith.mulf %scan3A_97#2, %mul3A_106 : vector<16xf32>
        %mul3A_108 = arith.constant 0.316227764 : f32
        %mul3A_109 = vector.broadcast %mul3A_108 : f32 to vector<16xf32>
        %mul3A_110 = arith.mulf %scan3A_97#3, %mul3A_109 : vector<16xf32>
        %max3A = arith.maximumf %mul3A_101, %mul3A_104 : vector<16xf32>
        %max3A_111 = arith.maximumf %mul3A_107, %mul3A_110 : vector<16xf32>
        %max3A_112 = arith.maximumf %max3A, %max3A_111 : vector<16xf32>
        %reduce_max3A = arith.constant true
        %reduce_max3A_113 = vector.broadcast %reduce_max3A : i1 to vector<16xi1>
        %reduce_max3A_114 = tpu.scan <max>, %max3A_112 masked %reduce_max3A_113 : vector<16xf32>, vector<16xi1> -> vector<16xf32>
        %reduce_max3A_115 = vector.extract %reduce_max3A_114[15] : f32 from vector<16xf32>
        %add3A_116 = arith.constant 0 : i32
        %add3A_117 = vector.broadcast %add3A_116 : i32 to vector<16xi32>
        %add3A_118 = arith.addi %iota3A, %add3A_117 : vector<16xi32>
        %lt3A_119 = arith.constant 50 : i32
        %lt3A_120 = vector.broadcast %lt3A_119 : i32 to vector<16xi32>
        %lt3A_121 = arith.cmpi slt, %add3A_118, %lt3A_120 : vector<16xi32>
        %sub3A = vector.broadcast %reduce_max3A_115 : f32 to vector<16xf32>
        %sub3A_122 = arith.subf %mul3A_101, %sub3A : vector<16xf32>
        %exp3A = math.exp %sub3A_122 : vector<16xf32>
        %jit3A = arith.constant 0.000000e+00 : f32
        %broadcast_in_dim3A_123 = vector.broadcast %jit3A : f32 to vector<16xf32>
        %select_n3A = arith.select %lt3A_121, %exp3A, %broadcast_in_dim3A_123 : vector<16xi1>, vector<16xf32>
        %add3A_124 = arith.constant 16 : i32
        %add3A_125 = vector.broadcast %add3A_124 : i32 to vector<16xi32>
        %add3A_126 = arith.addi %iota3A, %add3A_125 : vector<16xi32>
        %lt3A_127 = arith.constant 50 : i32
        %lt3A_128 = vector.broadcast %lt3A_127 : i32 to vector<16xi32>
        %lt3A_129 = arith.cmpi slt, %add3A_126, %lt3A_128 : vector<16xi32>
        %sub3A_130 = vector.broadcast %reduce_max3A_115 : f32 to vector<16xf32>
        %sub3A_131 = arith.subf %mul3A_104, %sub3A_130 : vector<16xf32>
        %exp3A_132 = math.exp %sub3A_131 : vector<16xf32>
        %jit3A_133 = arith.constant 0.000000e+00 : f32
        %broadcast_in_dim3A_134 = vector.broadcast %jit3A_133 : f32 to vector<16xf32>
        %select_n3A_135 = arith.select %lt3A_129, %exp3A_132, %broadcast_in_dim3A_134 : vector<16xi1>, vector<16xf32>
        %add3A_136 = arith.constant 32 : i32
        %add3A_137 = vector.broadcast %add3A_136 : i32 to vector<16xi32>
        %add3A_138 = arith.addi %iota3A, %add3A_137 : vector<16xi32>
        %lt3A_139 = arith.constant 50 : i32
        %lt3A_140 = vector.broadcast %lt3A_139 : i32 to vector<16xi32>
        %lt3A_141 = arith.cmpi slt, %add3A_138, %lt3A_140 : vector<16xi32>
        %sub3A_142 = vector.broadcast %reduce_max3A_115 : f32 to vector<16xf32>
        %sub3A_143 = arith.subf %mul3A_107, %sub3A_142 : vector<16xf32>
        %exp3A_144 = math.exp %sub3A_143 : vector<16xf32>
        %jit3A_145 = arith.constant 0.000000e+00 : f32
        %broadcast_in_dim3A_146 = vector.broadcast %jit3A_145 : f32 to vector<16xf32>
        %select_n3A_147 = arith.select %lt3A_141, %exp3A_144, %broadcast_in_dim3A_146 : vector<16xi1>, vector<16xf32>
        %add3A_148 = arith.constant 48 : i32
        %add3A_149 = vector.broadcast %add3A_148 : i32 to vector<16xi32>
        %add3A_150 = arith.addi %iota3A, %add3A_149 : vector<16xi32>
        %lt3A_151 = arith.constant 50 : i32
        %lt3A_152 = vector.broadcast %lt3A_151 : i32 to vector<16xi32>
        %lt3A_153 = arith.cmpi slt, %add3A_150, %lt3A_152 : vector<16xi32>
        %sub3A_154 = vector.broadcast %reduce_max3A_115 : f32 to vector<16xf32>
        %sub3A_155 = arith.subf %mul3A_110, %sub3A_154 : vector<16xf32>
        %exp3A_156 = math.exp %sub3A_155 : vector<16xf32>
        %jit3A_157 = arith.constant 0.000000e+00 : f32
        %broadcast_in_dim3A_158 = vector.broadcast %jit3A_157 : f32 to vector<16xf32>
        %select_n3A_159 = arith.select %lt3A_153, %exp3A_156, %broadcast_in_dim3A_158 : vector<16xi1>, vector<16xf32>
        %add3A_160 = arith.addf %select_n3A, %select_n3A_135 : vector<16xf32>
        %add3A_161 = arith.addf %add3A_160, %select_n3A_147 : vector<16xf32>
        %add3A_162 = arith.addf %add3A_161, %select_n3A_159 : vector<16xf32>
        %reduce_sum3A = arith.constant true
        %reduce_sum3A_163 = vector.broadcast %reduce_sum3A : i1 to vector<16xi1>
        %reduce_sum3A_164 = tpu.scan <sum>, %add3A_162 masked %reduce_sum3A_163 : vector<16xf32>, vector<16xi1> -> vector<16xf32>
        %reduce_sum3A_165 = vector.extract %reduce_sum3A_164[15] : f32 from vector<16xf32>
        %broadcast_in_dim3A_166 = arith.constant 1.000000e+00 : f32
        %broadcast_in_dim3A_167 = vector.broadcast %broadcast_in_dim3A_166 : f32 to vector<16xf32>
        %broadcast_in_dim3A_168 = vector.broadcast %reduce_sum3A_165 : f32 to vector<16xf32>
        %div3A = arith.divf %broadcast_in_dim3A_167, %broadcast_in_dim3A_168 : vector<16xf32>
        %mul3A_169 = arith.mulf %select_n3A, %div3A : vector<16xf32>
        %mul3A_170 = arith.mulf %select_n3A_135, %div3A : vector<16xf32>
        %mul3A_171 = arith.mulf %select_n3A_147, %div3A : vector<16xf32>
        %mul3A_172 = arith.mulf %select_n3A_159, %div3A : vector<16xf32>
        %swap3A_173 = arith.constant 16 : index
        %swap3A_174 = tpu.vector_load %arg9[%swap3A_173] {strides = array<i32>} : memref<80xf32, #tpu.memory_space<vmem>>, vector<16xf32>,
        tpu.vector_store %arg9[%swap3A_173], %mul3A_169 {strides = array<i32>} : memref<80xf32, #tpu.memory_space<vmem>>, vector<16xf32>,
        %swap3A_175 = arith.constant 32 : index
        %swap3A_176 = tpu.vector_load %arg9[%swap3A_175] {strides = array<i32>} : memref<80xf32, #tpu.memory_space<vmem>>, vector<16xf32>,
        tpu.vector_store %arg9[%swap3A_175], %mul3A_170 {strides = array<i32>} : memref<80xf32, #tpu.memory_space<vmem>>, vector<16xf32>,
        %swap3A_177 = arith.constant 48 : index
        %swap3A_178 = tpu.vector_load %arg9[%swap3A_177] {strides = array<i32>} : memref<80xf32, #tpu.memory_space<vmem>>, vector<16xf32>,
        tpu.vector_store %arg9[%swap3A_177], %mul3A_171 {strides = array<i32>} : memref<80xf32, #tpu.memory_space<vmem>>, vector<16xf32>,
        %swap3A_179 = arith.constant 64 : index
        %swap3A_180 = tpu.vector_load %arg9[%swap3A_179] {strides = array<i32>} : memref<80xf32, #tpu.memory_space<vmem>>, vector<16xf32>,
        tpu.vector_store %arg9[%swap3A_179], %mul3A_172 {strides = array<i32>} : memref<80xf32, #tpu.memory_space<vmem>>, vector<16xf32>,
        %dma_wait3A = arith.constant 0 : i32
        %dma_wait3A_181 = tpu.memref_slice %arg8[%dma_wait3A] : memref<64xi32, #tpu.memory_space<vmem>> -> memref<56xi32, #tpu.memory_space<vmem>>
        %dma_wait3A_182 = arith.constant 0 : i32
        %dma_wait3A_183 = arith.constant 0 : i32
        %dma_wait3A_184 = tpu.memref_slice %arg4[%dma_wait3A_182, %dma_wait3A_183] : memref<5050x48xf32, #tpu.memory_space<hbm>> -> memref<5050x48xf32, #tpu.memory_space<hbm>>
        tpu.wait_indirect_dma semaphore(%arg14 : memref<!tpu.dma_semaphore, #tpu.memory_space<semaphore_mem>>) src(%dma_wait3A_184 : memref<5050x48xf32, #tpu.memory_space<hbm>>) dst(%arg11 : memref<56x48xf32, #tpu.memory_space<vmem>>)
        %broadcast_in_dim3A_185 = arith.constant 0.000000e+00 : f32
        %broadcast_in_dim3A_186 = vector.broadcast %broadcast_in_dim3A_185 : f32 to vector<16xf32>
        %broadcast_in_dim3A_187 = arith.constant 0.000000e+00 : f32
        %broadcast_in_dim3A_188 = vector.broadcast %broadcast_in_dim3A_187 : f32 to vector<16xf32>
        %broadcast_in_dim3A_189 = arith.constant 0.000000e+00 : f32
        %broadcast_in_dim3A_190 = vector.broadcast %broadcast_in_dim3A_189 : f32 to vector<16xf32>
        %scan3A_191 = arith.constant 0 : i32
        %scan3A_192 = arith.constant 50 : i32
        %scan3A_193 = arith.addi %scan3A_191, %scan3A_192 : i32
        %scan3A_194 = arith.constant 1 : i32
        %scan3A_195:3 = scf.for %scan3A_203 = %scan3A_191 to %scan3A_193 step %scan3A_194 iter_args(%scan3A_204 = %broadcast_in_dim3A_186, %scan3A_205 = %broadcast_in_dim3A_188, %scan3A_206 = %broadcast_in_dim3A_190) -> (vector<16xf32>, vector<16xf32>, vector<16xf32>)  : i32 {
          %mul3A_207 = arith.constant 0 : i32
          %mul3A_208 = vector.broadcast %mul3A_207 : i32 to vector<16xi32>
          %mul3A_209 = arith.muli %iota3A, %mul3A_208 : vector<16xi32>
          %add3A_210 = arith.constant 16 : i32
          %add3A_211 = arith.addi %add3A_210, %scan3A_203 : i32
          %add3A_212 = vector.broadcast %add3A_211 : i32 to vector<16xi32>
          %add3A_213 = arith.addi %mul3A_209, %add3A_212 : vector<16xi32>
          %gather3A = tpu.vector_load_idx %arg9[%add3A_213] : memref<80xf32, #tpu.memory_space<vmem>>[vector<16xi32>], vector<16xf32>,
          %bitcast3A = vector.bitcast %gather3A : vector<16xf32> to vector<16xi32>
          %add3A_214 = arith.constant 32767 : i32
          %add3A_215 = vector.broadcast %add3A_214 : i32 to vector<16xi32>
          %add3A_216 = arith.addi %bitcast3A, %add3A_215 : vector<16xi32>
          %shift_right_arithmetic3A = arith.constant 16 : i32
          %shift_right_arithmetic3A_217 = vector.broadcast %shift_right_arithmetic3A : i32 to vector<16xi32>
          %shift_right_arithmetic3A_218 = arith.shrsi %bitcast3A, %shift_right_arithmetic3A_217 : vector<16xi32>
          %and3A = arith.constant 1 : i32
          %and3A_219 = vector.broadcast %and3A : i32 to vector<16xi32>
          %and3A_220 = arith.andi %shift_right_arithmetic3A_218, %and3A_219 : vector<16xi32>
          %add3A_221 = arith.addi %add3A_216, %and3A_220 : vector<16xi32>
          %and3A_222 = arith.constant -65536 : i32
          %and3A_223 = vector.broadcast %and3A_222 : i32 to vector<16xi32>
          %and3A_224 = arith.andi %add3A_221, %and3A_223 : vector<16xi32>
          %bitcast3A_225 = vector.bitcast %and3A_224 : vector<16xi32> to vector<16xf32>
          %broadcast_in_dim3A_226 = arith.constant 0 : i32
          %broadcast_in_dim3A_227 = vector.broadcast %broadcast_in_dim3A_226 : i32 to vector<16xi32>
          %add3A_228 = vector.broadcast %scan3A_203 : i32 to vector<16xi32>
          %add3A_229 = arith.addi %broadcast_in_dim3A_227, %add3A_228 : vector<16xi32>
          %add3A_230 = arith.constant 0 : i32
          %add3A_231 = vector.broadcast %add3A_230 : i32 to vector<16xi32>
          %add3A_232 = arith.addi %iota3A, %add3A_231 : vector<16xi32>
          %gather3A_233 = tpu.vector_load_idx %arg11[%add3A_229, %add3A_232] : memref<56x48xf32, #tpu.memory_space<vmem>>[vector<16xi32>, vector<16xi32>], vector<16xf32>,
          %bitcast3A_234 = vector.bitcast %gather3A_233 : vector<16xf32> to vector<16xi32>
          %add3A_235 = arith.constant 32767 : i32
          %add3A_236 = vector.broadcast %add3A_235 : i32 to vector<16xi32>
          %add3A_237 = arith.addi %bitcast3A_234, %add3A_236 : vector<16xi32>
          %shift_right_arithmetic3A_238 = arith.constant 16 : i32
          %shift_right_arithmetic3A_239 = vector.broadcast %shift_right_arithmetic3A_238 : i32 to vector<16xi32>
          %shift_right_arithmetic3A_240 = arith.shrsi %bitcast3A_234, %shift_right_arithmetic3A_239 : vector<16xi32>
          %and3A_241 = arith.constant 1 : i32
          %and3A_242 = vector.broadcast %and3A_241 : i32 to vector<16xi32>
          %and3A_243 = arith.andi %shift_right_arithmetic3A_240, %and3A_242 : vector<16xi32>
          %add3A_244 = arith.addi %add3A_237, %and3A_243 : vector<16xi32>
          %and3A_245 = arith.constant -65536 : i32
          %and3A_246 = vector.broadcast %and3A_245 : i32 to vector<16xi32>
          %and3A_247 = arith.andi %add3A_244, %and3A_246 : vector<16xi32>
          %bitcast3A_248 = vector.bitcast %and3A_247 : vector<16xi32> to vector<16xf32>
          %mul3A_249 = arith.mulf %bitcast3A_225, %bitcast3A_248 : vector<16xf32>
          %add3A_250 = arith.addf %scan3A_204, %mul3A_249 : vector<16xf32>
          %broadcast_in_dim3A_251 = arith.constant 0 : i32
          %broadcast_in_dim3A_252 = vector.broadcast %broadcast_in_dim3A_251 : i32 to vector<16xi32>
          %add3A_253 = vector.broadcast %scan3A_203 : i32 to vector<16xi32>
          %add3A_254 = arith.addi %broadcast_in_dim3A_252, %add3A_253 : vector<16xi32>
          %add3A_255 = arith.constant 16 : i32
          %add3A_256 = vector.broadcast %add3A_255 : i32 to vector<16xi32>
          %add3A_257 = arith.addi %iota3A, %add3A_256 : vector<16xi32>
          %gather3A_258 = tpu.vector_load_idx %arg11[%add3A_254, %add3A_257] : memref<56x48xf32, #tpu.memory_space<vmem>>[vector<16xi32>, vector<16xi32>], vector<16xf32>,
          %bitcast3A_259 = vector.bitcast %gather3A_258 : vector<16xf32> to vector<16xi32>
          %add3A_260 = arith.constant 32767 : i32
          %add3A_261 = vector.broadcast %add3A_260 : i32 to vector<16xi32>
          %add3A_262 = arith.addi %bitcast3A_259, %add3A_261 : vector<16xi32>
          %shift_right_arithmetic3A_263 = arith.constant 16 : i32
          %shift_right_arithmetic3A_264 = vector.broadcast %shift_right_arithmetic3A_263 : i32 to vector<16xi32>
          %shift_right_arithmetic3A_265 = arith.shrsi %bitcast3A_259, %shift_right_arithmetic3A_264 : vector<16xi32>
          %and3A_266 = arith.constant 1 : i32
          %and3A_267 = vector.broadcast %and3A_266 : i32 to vector<16xi32>
          %and3A_268 = arith.andi %shift_right_arithmetic3A_265, %and3A_267 : vector<16xi32>
          %add3A_269 = arith.addi %add3A_262, %and3A_268 : vector<16xi32>
          %and3A_270 = arith.constant -65536 : i32
          %and3A_271 = vector.broadcast %and3A_270 : i32 to vector<16xi32>
          %and3A_272 = arith.andi %add3A_269, %and3A_271 : vector<16xi32>
          %bitcast3A_273 = vector.bitcast %and3A_272 : vector<16xi32> to vector<16xf32>
          %mul3A_274 = arith.mulf %bitcast3A_225, %bitcast3A_273 : vector<16xf32>
          %add3A_275 = arith.addf %scan3A_205, %mul3A_274 : vector<16xf32>
          %broadcast_in_dim3A_276 = arith.constant 0 : i32
          %broadcast_in_dim3A_277 = vector.broadcast %broadcast_in_dim3A_276 : i32 to vector<16xi32>
          %add3A_278 = vector.broadcast %scan3A_203 : i32 to vector<16xi32>
          %add3A_279 = arith.addi %broadcast_in_dim3A_277, %add3A_278 : vector<16xi32>
          %add3A_280 = arith.constant 32 : i32
          %add3A_281 = vector.broadcast %add3A_280 : i32 to vector<16xi32>
          %add3A_282 = arith.addi %iota3A, %add3A_281 : vector<16xi32>
          %gather3A_283 = tpu.vector_load_idx %arg11[%add3A_279, %add3A_282] : memref<56x48xf32, #tpu.memory_space<vmem>>[vector<16xi32>, vector<16xi32>], vector<16xf32>,
          %bitcast3A_284 = vector.bitcast %gather3A_283 : vector<16xf32> to vector<16xi32>
          %add3A_285 = arith.constant 32767 : i32
          %add3A_286 = vector.broadcast %add3A_285 : i32 to vector<16xi32>
          %add3A_287 = arith.addi %bitcast3A_284, %add3A_286 : vector<16xi32>
          %shift_right_arithmetic3A_288 = arith.constant 16 : i32
          %shift_right_arithmetic3A_289 = vector.broadcast %shift_right_arithmetic3A_288 : i32 to vector<16xi32>
          %shift_right_arithmetic3A_290 = arith.shrsi %bitcast3A_284, %shift_right_arithmetic3A_289 : vector<16xi32>
          %and3A_291 = arith.constant 1 : i32
          %and3A_292 = vector.broadcast %and3A_291 : i32 to vector<16xi32>
          %and3A_293 = arith.andi %shift_right_arithmetic3A_290, %and3A_292 : vector<16xi32>
          %add3A_294 = arith.addi %add3A_287, %and3A_293 : vector<16xi32>
          %and3A_295 = arith.constant -65536 : i32
          %and3A_296 = vector.broadcast %and3A_295 : i32 to vector<16xi32>
          %and3A_297 = arith.andi %add3A_294, %and3A_296 : vector<16xi32>
          %bitcast3A_298 = vector.bitcast %and3A_297 : vector<16xi32> to vector<16xf32>
          %mul3A_299 = arith.mulf %bitcast3A_225, %bitcast3A_298 : vector<16xf32>
          %add3A_300 = arith.addf %scan3A_206, %mul3A_299 : vector<16xf32>
          scf.yield %add3A_250, %add3A_275, %add3A_300 : vector<16xf32>, vector<16xf32>, vector<16xf32>
        }
        %scan3A_196 = arith.constant 50 : i32
        %swap3A_197 = arith.constant 0 : index
        %swap3A_198 = tpu.vector_load %arg13[%swap3A_197] {strides = array<i32>} : memref<64xf32, #tpu.memory_space<vmem>>, vector<16xf32>,
        tpu.vector_store %arg13[%swap3A_197], %scan3A_195#0 {strides = array<i32>} : memref<64xf32, #tpu.memory_space<vmem>>, vector<16xf32>,
        %swap3A_199 = arith.constant 16 : index
        %swap3A_200 = tpu.vector_load %arg13[%swap3A_199] {strides = array<i32>} : memref<64xf32, #tpu.memory_space<vmem>>, vector<16xf32>,
        tpu.vector_store %arg13[%swap3A_199], %scan3A_195#1 {strides = array<i32>} : memref<64xf32, #tpu.memory_space<vmem>>, vector<16xf32>,
        %swap3A_201 = arith.constant 32 : index
        %swap3A_202 = tpu.vector_load %arg13[%swap3A_201] {strides = array<i32>} : memref<64xf32, #tpu.memory_space<vmem>>, vector<16xf32>,
        tpu.vector_store %arg13[%swap3A_201], %scan3A_195#2 {strides = array<i32>} : memref<64xf32, #tpu.memory_space<vmem>>, vector<16xf32>,
        "tpu.region"() ({
          %run_scoped3A = tpu.sem_alloc : memref<!tpu.dma_semaphore, #tpu.memory_space<semaphore_mem>>
          %dma_start3A_203 = arith.constant 0 : i32
          %dma_start3A_204 = tpu.memref_slice %arg13[%dma_start3A_203] : memref<64xf32, #tpu.memory_space<vmem>> -> memref<48xf32, #tpu.memory_space<vmem>>
          %dma_start3A_205 = arith.constant 64 : i32
          %dma_start3A_206 = tpu.memref_slice %arg6[%dma_start3A_205] : memref<160xf32, #tpu.memory_space<hbm>> -> memref<48xf32, #tpu.memory_space<hbm>>
          %dma_start3A_207 = arith.constant 64 : i32
          %dma_start3A_208 = tpu.memref_slice %arg6[%dma_start3A_207] : memref<160xf32, #tpu.memory_space<hbm>> -> memref<48xf32, #tpu.memory_space<hbm>>
          %dma_start3A_209 = arith.constant 0 : i32
          %dma_start3A_210 = tpu.memref_slice %arg13[%dma_start3A_209] : memref<64xf32, #tpu.memory_space<vmem>> -> memref<48xf32, #tpu.memory_space<vmem>>
          tpu.enqueue_dma source(%dma_start3A_210 : memref<48xf32, #tpu.memory_space<vmem>>) target(%dma_start3A_208 : memref<48xf32, #tpu.memory_space<hbm>>) target_semaphore(%run_scoped3A : memref<!tpu.dma_semaphore, #tpu.memory_space<semaphore_mem>>)
          %dma_wait3A_211 = arith.constant 0 : i32
          %dma_wait3A_212 = tpu.memref_slice %arg13[%dma_wait3A_211] : memref<64xf32, #tpu.memory_space<vmem>> -> memref<48xf32, #tpu.memory_space<vmem>>
          %dma_wait3A_213 = arith.constant 64 : i32
          %dma_wait3A_214 = tpu.memref_slice %arg6[%dma_wait3A_213] : memref<160xf32, #tpu.memory_space<hbm>> -> memref<48xf32, #tpu.memory_space<hbm>>
          %dma_wait3A_215 = arith.constant 64 : i32
          %dma_wait3A_216 = tpu.memref_slice %arg6[%dma_wait3A_215] : memref<160xf32, #tpu.memory_space<hbm>> -> memref<48xf32, #tpu.memory_space<hbm>>
          %dma_wait3A_217 = arith.constant 0 : i32
          %dma_wait3A_218 = tpu.memref_slice %arg13[%dma_wait3A_217] : memref<64xf32, #tpu.memory_space<vmem>> -> memref<48xf32, #tpu.memory_space<vmem>>
          tpu.wait_dma2 semaphore(%run_scoped3A : memref<!tpu.dma_semaphore, #tpu.memory_space<semaphore_mem>>) src(%dma_wait3A_218 : memref<48xf32, #tpu.memory_space<vmem>>) dst(%dma_wait3A_216 : memref<48xf32, #tpu.memory_space<hbm>>)
          tpu.yield
        }) : () -> ()
      } else {
      }
      %eq3A_60 = arith.constant 2 : i32
      %eq3A_61 = arith.cmpi eq, %arg1, %eq3A_60 : i32
      %convert_element_type3A_62 = arith.extui %eq3A_61 : i1 to i32
      %cond3A_63 = arith.constant 0 : i32
      %cond3A_64 = arith.cmpi ne, %convert_element_type3A_62, %cond3A_63 : i32
      scf.if %cond3A_64 {
        %dma_start3A = arith.constant 0 : i32
        %dma_start3A_65 = tpu.memref_slice %arg8[%dma_start3A] : memref<64xi32, #tpu.memory_space<vmem>> -> memref<56xi32, #tpu.memory_space<vmem>>
        %dma_start3A_66 = arith.constant 0 : i32
        %dma_start3A_67 = arith.constant 0 : i32
        %dma_start3A_68 = tpu.memref_slice %arg5[%dma_start3A_66, %dma_start3A_67] : memref<5050x16xf32, #tpu.memory_space<hbm>> -> memref<5050x16xf32, #tpu.memory_space<hbm>>
        tpu.enqueue_indirect_dma source(%dma_start3A_68 : memref<5050x16xf32, #tpu.memory_space<hbm>>) target(%arg12 : memref<56x16xf32, #tpu.memory_space<vmem>>) offsets(%dma_start3A_65 : memref<56xi32, #tpu.memory_space<vmem>>) semaphore(%arg14 : memref<!tpu.dma_semaphore, #tpu.memory_space<semaphore_mem>>)
        %add3A_69 = arith.constant 0 : i32
        %add3A_70 = vector.broadcast %add3A_69 : i32 to vector<16xi32>
        %add3A_71 = arith.addi %iota3A, %add3A_70 : vector<16xi32>
        %min3A_72 = arith.constant 49 : i32
        %min3A_73 = vector.broadcast %min3A_72 : i32 to vector<16xi32>
        %min3A_74 = arith.minsi %add3A_71, %min3A_73 : vector<16xi32>
        %add3A_75 = arith.constant 16 : i32
        %add3A_76 = vector.broadcast %add3A_75 : i32 to vector<16xi32>
        %add3A_77 = arith.addi %iota3A, %add3A_76 : vector<16xi32>
        %min3A_78 = arith.constant 49 : i32
        %min3A_79 = vector.broadcast %min3A_78 : i32 to vector<16xi32>
        %min3A_80 = arith.minsi %add3A_77, %min3A_79 : vector<16xi32>
        %add3A_81 = arith.constant 32 : i32
        %add3A_82 = vector.broadcast %add3A_81 : i32 to vector<16xi32>
        %add3A_83 = arith.addi %iota3A, %add3A_82 : vector<16xi32>
        %min3A_84 = arith.constant 49 : i32
        %min3A_85 = vector.broadcast %min3A_84 : i32 to vector<16xi32>
        %min3A_86 = arith.minsi %add3A_83, %min3A_85 : vector<16xi32>
        %add3A_87 = arith.constant 48 : i32
        %add3A_88 = vector.broadcast %add3A_87 : i32 to vector<16xi32>
        %add3A_89 = arith.addi %iota3A, %add3A_88 : vector<16xi32>
        %min3A_90 = arith.constant 49 : i32
        %min3A_91 = vector.broadcast %min3A_90 : i32 to vector<16xi32>
        %min3A_92 = arith.minsi %add3A_89, %min3A_91 : vector<16xi32>
        %broadcast_in_dim3A = arith.constant 0.000000e+00 : f32
        %broadcast_in_dim3A_93 = vector.broadcast %broadcast_in_dim3A : f32 to vector<16xf32>
        %scan3A = arith.constant 0 : i32
        %scan3A_94 = arith.constant 10 : i32
        %scan3A_95 = arith.addi %scan3A, %scan3A_94 : i32
        %scan3A_96 = arith.constant 1 : i32
        %scan3A_97:4 = scf.for %scan3A_195 = %scan3A to %scan3A_95 step %scan3A_96 iter_args(%scan3A_196 = %broadcast_in_dim3A_93, %scan3A_197 = %broadcast_in_dim3A_93, %scan3A_198 = %broadcast_in_dim3A_93, %scan3A_199 = %broadcast_in_dim3A_93) -> (vector<16xf32>, vector<16xf32>, vector<16xf32>, vector<16xf32>)  : i32 {
          %mul3A_200 = arith.constant 0 : i32
          %mul3A_201 = vector.broadcast %mul3A_200 : i32 to vector<16xi32>
          %mul3A_202 = arith.muli %iota3A, %mul3A_201 : vector<16xi32>
          %add3A_203 = arith.constant 17 : i32
          %add3A_204 = arith.addi %add3A_203, %scan3A_195 : i32
          %add3A_205 = vector.broadcast %add3A_204 : i32 to vector<16xi32>
          %add3A_206 = arith.addi %mul3A_202, %add3A_205 : vector<16xi32>
          %gather3A = tpu.vector_load_idx %arg7[%add3A_206] : memref<532xf32, #tpu.memory_space<vmem>>[vector<16xi32>], vector<16xf32>,
          %bitcast3A = vector.bitcast %gather3A : vector<16xf32> to vector<16xi32>
          %add3A_207 = arith.constant 32767 : i32
          %add3A_208 = vector.broadcast %add3A_207 : i32 to vector<16xi32>
          %add3A_209 = arith.addi %bitcast3A, %add3A_208 : vector<16xi32>
          %shift_right_arithmetic3A = arith.constant 16 : i32
          %shift_right_arithmetic3A_210 = vector.broadcast %shift_right_arithmetic3A : i32 to vector<16xi32>
          %shift_right_arithmetic3A_211 = arith.shrsi %bitcast3A, %shift_right_arithmetic3A_210 : vector<16xi32>
          %and3A = arith.constant 1 : i32
          %and3A_212 = vector.broadcast %and3A : i32 to vector<16xi32>
          %and3A_213 = arith.andi %shift_right_arithmetic3A_211, %and3A_212 : vector<16xi32>
          %add3A_214 = arith.addi %add3A_209, %and3A_213 : vector<16xi32>
          %and3A_215 = arith.constant -65536 : i32
          %and3A_216 = vector.broadcast %and3A_215 : i32 to vector<16xi32>
          %and3A_217 = arith.andi %add3A_214, %and3A_216 : vector<16xi32>
          %bitcast3A_218 = vector.bitcast %and3A_217 : vector<16xi32> to vector<16xf32>
          %mul3A_219 = arith.constant 10 : i32
          %mul3A_220 = vector.broadcast %mul3A_219 : i32 to vector<16xi32>
          %mul3A_221 = arith.muli %min3A_74, %mul3A_220 : vector<16xi32>
          %add3A_222 = arith.constant 32 : i32
          %add3A_223 = arith.addi %add3A_222, %scan3A_195 : i32
          %add3A_224 = vector.broadcast %add3A_223 : i32 to vector<16xi32>
          %add3A_225 = arith.addi %mul3A_221, %add3A_224 : vector<16xi32>
          %gather3A_226 = tpu.vector_load_idx %arg7[%add3A_225] : memref<532xf32, #tpu.memory_space<vmem>>[vector<16xi32>], vector<16xf32>,
          %bitcast3A_227 = vector.bitcast %gather3A_226 : vector<16xf32> to vector<16xi32>
          %add3A_228 = arith.constant 32767 : i32
          %add3A_229 = vector.broadcast %add3A_228 : i32 to vector<16xi32>
          %add3A_230 = arith.addi %bitcast3A_227, %add3A_229 : vector<16xi32>
          %shift_right_arithmetic3A_231 = arith.constant 16 : i32
          %shift_right_arithmetic3A_232 = vector.broadcast %shift_right_arithmetic3A_231 : i32 to vector<16xi32>
          %shift_right_arithmetic3A_233 = arith.shrsi %bitcast3A_227, %shift_right_arithmetic3A_232 : vector<16xi32>
          %and3A_234 = arith.constant 1 : i32
          %and3A_235 = vector.broadcast %and3A_234 : i32 to vector<16xi32>
          %and3A_236 = arith.andi %shift_right_arithmetic3A_233, %and3A_235 : vector<16xi32>
          %add3A_237 = arith.addi %add3A_230, %and3A_236 : vector<16xi32>
          %and3A_238 = arith.constant -65536 : i32
          %and3A_239 = vector.broadcast %and3A_238 : i32 to vector<16xi32>
          %and3A_240 = arith.andi %add3A_237, %and3A_239 : vector<16xi32>
          %bitcast3A_241 = vector.bitcast %and3A_240 : vector<16xi32> to vector<16xf32>
          %mul3A_242 = arith.mulf %bitcast3A_218, %bitcast3A_241 : vector<16xf32>
          %add3A_243 = arith.addf %scan3A_196, %mul3A_242 : vector<16xf32>
          %mul3A_244 = arith.constant 10 : i32
          %mul3A_245 = vector.broadcast %mul3A_244 : i32 to vector<16xi32>
          %mul3A_246 = arith.muli %min3A_80, %mul3A_245 : vector<16xi32>
          %add3A_247 = arith.constant 32 : i32
          %add3A_248 = arith.addi %add3A_247, %scan3A_195 : i32
          %add3A_249 = vector.broadcast %add3A_248 : i32 to vector<16xi32>
          %add3A_250 = arith.addi %mul3A_246, %add3A_249 : vector<16xi32>
          %gather3A_251 = tpu.vector_load_idx %arg7[%add3A_250] : memref<532xf32, #tpu.memory_space<vmem>>[vector<16xi32>], vector<16xf32>,
          %bitcast3A_252 = vector.bitcast %gather3A_251 : vector<16xf32> to vector<16xi32>
          %add3A_253 = arith.constant 32767 : i32
          %add3A_254 = vector.broadcast %add3A_253 : i32 to vector<16xi32>
          %add3A_255 = arith.addi %bitcast3A_252, %add3A_254 : vector<16xi32>
          %shift_right_arithmetic3A_256 = arith.constant 16 : i32
          %shift_right_arithmetic3A_257 = vector.broadcast %shift_right_arithmetic3A_256 : i32 to vector<16xi32>
          %shift_right_arithmetic3A_258 = arith.shrsi %bitcast3A_252, %shift_right_arithmetic3A_257 : vector<16xi32>
          %and3A_259 = arith.constant 1 : i32
          %and3A_260 = vector.broadcast %and3A_259 : i32 to vector<16xi32>
          %and3A_261 = arith.andi %shift_right_arithmetic3A_258, %and3A_260 : vector<16xi32>
          %add3A_262 = arith.addi %add3A_255, %and3A_261 : vector<16xi32>
          %and3A_263 = arith.constant -65536 : i32
          %and3A_264 = vector.broadcast %and3A_263 : i32 to vector<16xi32>
          %and3A_265 = arith.andi %add3A_262, %and3A_264 : vector<16xi32>
          %bitcast3A_266 = vector.bitcast %and3A_265 : vector<16xi32> to vector<16xf32>
          %mul3A_267 = arith.mulf %bitcast3A_218, %bitcast3A_266 : vector<16xf32>
          %add3A_268 = arith.addf %scan3A_197, %mul3A_267 : vector<16xf32>
          %mul3A_269 = arith.constant 10 : i32
          %mul3A_270 = vector.broadcast %mul3A_269 : i32 to vector<16xi32>
          %mul3A_271 = arith.muli %min3A_86, %mul3A_270 : vector<16xi32>
          %add3A_272 = arith.constant 32 : i32
          %add3A_273 = arith.addi %add3A_272, %scan3A_195 : i32
          %add3A_274 = vector.broadcast %add3A_273 : i32 to vector<16xi32>
          %add3A_275 = arith.addi %mul3A_271, %add3A_274 : vector<16xi32>
          %gather3A_276 = tpu.vector_load_idx %arg7[%add3A_275] : memref<532xf32, #tpu.memory_space<vmem>>[vector<16xi32>], vector<16xf32>,
          %bitcast3A_277 = vector.bitcast %gather3A_276 : vector<16xf32> to vector<16xi32>
          %add3A_278 = arith.constant 32767 : i32
          %add3A_279 = vector.broadcast %add3A_278 : i32 to vector<16xi32>
          %add3A_280 = arith.addi %bitcast3A_277, %add3A_279 : vector<16xi32>
          %shift_right_arithmetic3A_281 = arith.constant 16 : i32
          %shift_right_arithmetic3A_282 = vector.broadcast %shift_right_arithmetic3A_281 : i32 to vector<16xi32>
          %shift_right_arithmetic3A_283 = arith.shrsi %bitcast3A_277, %shift_right_arithmetic3A_282 : vector<16xi32>
          %and3A_284 = arith.constant 1 : i32
          %and3A_285 = vector.broadcast %and3A_284 : i32 to vector<16xi32>
          %and3A_286 = arith.andi %shift_right_arithmetic3A_283, %and3A_285 : vector<16xi32>
          %add3A_287 = arith.addi %add3A_280, %and3A_286 : vector<16xi32>
          %and3A_288 = arith.constant -65536 : i32
          %and3A_289 = vector.broadcast %and3A_288 : i32 to vector<16xi32>
          %and3A_290 = arith.andi %add3A_287, %and3A_289 : vector<16xi32>
          %bitcast3A_291 = vector.bitcast %and3A_290 : vector<16xi32> to vector<16xf32>
          %mul3A_292 = arith.mulf %bitcast3A_218, %bitcast3A_291 : vector<16xf32>
          %add3A_293 = arith.addf %scan3A_198, %mul3A_292 : vector<16xf32>
          %mul3A_294 = arith.constant 10 : i32
          %mul3A_295 = vector.broadcast %mul3A_294 : i32 to vector<16xi32>
          %mul3A_296 = arith.muli %min3A_92, %mul3A_295 : vector<16xi32>
          %add3A_297 = arith.constant 32 : i32
          %add3A_298 = arith.addi %add3A_297, %scan3A_195 : i32
          %add3A_299 = vector.broadcast %add3A_298 : i32 to vector<16xi32>
          %add3A_300 = arith.addi %mul3A_296, %add3A_299 : vector<16xi32>
          %gather3A_301 = tpu.vector_load_idx %arg7[%add3A_300] : memref<532xf32, #tpu.memory_space<vmem>>[vector<16xi32>], vector<16xf32>,
          %bitcast3A_302 = vector.bitcast %gather3A_301 : vector<16xf32> to vector<16xi32>
          %add3A_303 = arith.constant 32767 : i32
          %add3A_304 = vector.broadcast %add3A_303 : i32 to vector<16xi32>
          %add3A_305 = arith.addi %bitcast3A_302, %add3A_304 : vector<16xi32>
          %shift_right_arithmetic3A_306 = arith.constant 16 : i32
          %shift_right_arithmetic3A_307 = vector.broadcast %shift_right_arithmetic3A_306 : i32 to vector<16xi32>
          %shift_right_arithmetic3A_308 = arith.shrsi %bitcast3A_302, %shift_right_arithmetic3A_307 : vector<16xi32>
          %and3A_309 = arith.constant 1 : i32
          %and3A_310 = vector.broadcast %and3A_309 : i32 to vector<16xi32>
          %and3A_311 = arith.andi %shift_right_arithmetic3A_308, %and3A_310 : vector<16xi32>
          %add3A_312 = arith.addi %add3A_305, %and3A_311 : vector<16xi32>
          %and3A_313 = arith.constant -65536 : i32
          %and3A_314 = vector.broadcast %and3A_313 : i32 to vector<16xi32>
          %and3A_315 = arith.andi %add3A_312, %and3A_314 : vector<16xi32>
          %bitcast3A_316 = vector.bitcast %and3A_315 : vector<16xi32> to vector<16xf32>
          %mul3A_317 = arith.mulf %bitcast3A_218, %bitcast3A_316 : vector<16xf32>
          %add3A_318 = arith.addf %scan3A_199, %mul3A_317 : vector<16xf32>
          scf.yield %add3A_243, %add3A_268, %add3A_293, %add3A_318 : vector<16xf32>, vector<16xf32>, vector<16xf32>, vector<16xf32>
        }
        %scan3A_98 = arith.constant 10 : i32
        %mul3A_99 = arith.constant 0.316227764 : f32
        %mul3A_100 = vector.broadcast %mul3A_99 : f32 to vector<16xf32>
        %mul3A_101 = arith.mulf %scan3A_97#0, %mul3A_100 : vector<16xf32>
        %mul3A_102 = arith.constant 0.316227764 : f32
        %mul3A_103 = vector.broadcast %mul3A_102 : f32 to vector<16xf32>
        %mul3A_104 = arith.mulf %scan3A_97#1, %mul3A_103 : vector<16xf32>
        %mul3A_105 = arith.constant 0.316227764 : f32
        %mul3A_106 = vector.broadcast %mul3A_105 : f32 to vector<16xf32>
        %mul3A_107 = arith.mulf %scan3A_97#2, %mul3A_106 : vector<16xf32>
        %mul3A_108 = arith.constant 0.316227764 : f32
        %mul3A_109 = vector.broadcast %mul3A_108 : f32 to vector<16xf32>
        %mul3A_110 = arith.mulf %scan3A_97#3, %mul3A_109 : vector<16xf32>
        %max3A = arith.maximumf %mul3A_101, %mul3A_104 : vector<16xf32>
        %max3A_111 = arith.maximumf %mul3A_107, %mul3A_110 : vector<16xf32>
        %max3A_112 = arith.maximumf %max3A, %max3A_111 : vector<16xf32>
        %reduce_max3A = arith.constant true
        %reduce_max3A_113 = vector.broadcast %reduce_max3A : i1 to vector<16xi1>
        %reduce_max3A_114 = tpu.scan <max>, %max3A_112 masked %reduce_max3A_113 : vector<16xf32>, vector<16xi1> -> vector<16xf32>
        %reduce_max3A_115 = vector.extract %reduce_max3A_114[15] : f32 from vector<16xf32>
        %add3A_116 = arith.constant 0 : i32
        %add3A_117 = vector.broadcast %add3A_116 : i32 to vector<16xi32>
        %add3A_118 = arith.addi %iota3A, %add3A_117 : vector<16xi32>
        %lt3A_119 = arith.constant 50 : i32
        %lt3A_120 = vector.broadcast %lt3A_119 : i32 to vector<16xi32>
        %lt3A_121 = arith.cmpi slt, %add3A_118, %lt3A_120 : vector<16xi32>
        %sub3A = vector.broadcast %reduce_max3A_115 : f32 to vector<16xf32>
        %sub3A_122 = arith.subf %mul3A_101, %sub3A : vector<16xf32>
        %exp3A = math.exp %sub3A_122 : vector<16xf32>
        %jit3A = arith.constant 0.000000e+00 : f32
        %broadcast_in_dim3A_123 = vector.broadcast %jit3A : f32 to vector<16xf32>
        %select_n3A = arith.select %lt3A_121, %exp3A, %broadcast_in_dim3A_123 : vector<16xi1>, vector<16xf32>
        %add3A_124 = arith.constant 16 : i32
        %add3A_125 = vector.broadcast %add3A_124 : i32 to vector<16xi32>
        %add3A_126 = arith.addi %iota3A, %add3A_125 : vector<16xi32>
        %lt3A_127 = arith.constant 50 : i32
        %lt3A_128 = vector.broadcast %lt3A_127 : i32 to vector<16xi32>
        %lt3A_129 = arith.cmpi slt, %add3A_126, %lt3A_128 : vector<16xi32>
        %sub3A_130 = vector.broadcast %reduce_max3A_115 : f32 to vector<16xf32>
        %sub3A_131 = arith.subf %mul3A_104, %sub3A_130 : vector<16xf32>
        %exp3A_132 = math.exp %sub3A_131 : vector<16xf32>
        %jit3A_133 = arith.constant 0.000000e+00 : f32
        %broadcast_in_dim3A_134 = vector.broadcast %jit3A_133 : f32 to vector<16xf32>
        %select_n3A_135 = arith.select %lt3A_129, %exp3A_132, %broadcast_in_dim3A_134 : vector<16xi1>, vector<16xf32>
        %add3A_136 = arith.constant 32 : i32
        %add3A_137 = vector.broadcast %add3A_136 : i32 to vector<16xi32>
        %add3A_138 = arith.addi %iota3A, %add3A_137 : vector<16xi32>
        %lt3A_139 = arith.constant 50 : i32
        %lt3A_140 = vector.broadcast %lt3A_139 : i32 to vector<16xi32>
        %lt3A_141 = arith.cmpi slt, %add3A_138, %lt3A_140 : vector<16xi32>
        %sub3A_142 = vector.broadcast %reduce_max3A_115 : f32 to vector<16xf32>
        %sub3A_143 = arith.subf %mul3A_107, %sub3A_142 : vector<16xf32>
        %exp3A_144 = math.exp %sub3A_143 : vector<16xf32>
        %jit3A_145 = arith.constant 0.000000e+00 : f32
        %broadcast_in_dim3A_146 = vector.broadcast %jit3A_145 : f32 to vector<16xf32>
        %select_n3A_147 = arith.select %lt3A_141, %exp3A_144, %broadcast_in_dim3A_146 : vector<16xi1>, vector<16xf32>
        %add3A_148 = arith.constant 48 : i32
        %add3A_149 = vector.broadcast %add3A_148 : i32 to vector<16xi32>
        %add3A_150 = arith.addi %iota3A, %add3A_149 : vector<16xi32>
        %lt3A_151 = arith.constant 50 : i32
        %lt3A_152 = vector.broadcast %lt3A_151 : i32 to vector<16xi32>
        %lt3A_153 = arith.cmpi slt, %add3A_150, %lt3A_152 : vector<16xi32>
        %sub3A_154 = vector.broadcast %reduce_max3A_115 : f32 to vector<16xf32>
        %sub3A_155 = arith.subf %mul3A_110, %sub3A_154 : vector<16xf32>
        %exp3A_156 = math.exp %sub3A_155 : vector<16xf32>
        %jit3A_157 = arith.constant 0.000000e+00 : f32
        %broadcast_in_dim3A_158 = vector.broadcast %jit3A_157 : f32 to vector<16xf32>
        %select_n3A_159 = arith.select %lt3A_153, %exp3A_156, %broadcast_in_dim3A_158 : vector<16xi1>, vector<16xf32>
        %add3A_160 = arith.addf %select_n3A, %select_n3A_135 : vector<16xf32>
        %add3A_161 = arith.addf %add3A_160, %select_n3A_147 : vector<16xf32>
        %add3A_162 = arith.addf %add3A_161, %select_n3A_159 : vector<16xf32>
        %reduce_sum3A = arith.constant true
        %reduce_sum3A_163 = vector.broadcast %reduce_sum3A : i1 to vector<16xi1>
        %reduce_sum3A_164 = tpu.scan <sum>, %add3A_162 masked %reduce_sum3A_163 : vector<16xf32>, vector<16xi1> -> vector<16xf32>
        %reduce_sum3A_165 = vector.extract %reduce_sum3A_164[15] : f32 from vector<16xf32>
        %broadcast_in_dim3A_166 = arith.constant 1.000000e+00 : f32
        %broadcast_in_dim3A_167 = vector.broadcast %broadcast_in_dim3A_166 : f32 to vector<16xf32>
        %broadcast_in_dim3A_168 = vector.broadcast %reduce_sum3A_165 : f32 to vector<16xf32>
        %div3A = arith.divf %broadcast_in_dim3A_167, %broadcast_in_dim3A_168 : vector<16xf32>
        %mul3A_169 = arith.mulf %select_n3A, %div3A : vector<16xf32>
        %mul3A_170 = arith.mulf %select_n3A_135, %div3A : vector<16xf32>
        %mul3A_171 = arith.mulf %select_n3A_147, %div3A : vector<16xf32>
        %mul3A_172 = arith.mulf %select_n3A_159, %div3A : vector<16xf32>
        %swap3A_173 = arith.constant 16 : index
        %swap3A_174 = tpu.vector_load %arg9[%swap3A_173] {strides = array<i32>} : memref<80xf32, #tpu.memory_space<vmem>>, vector<16xf32>,
        tpu.vector_store %arg9[%swap3A_173], %mul3A_169 {strides = array<i32>} : memref<80xf32, #tpu.memory_space<vmem>>, vector<16xf32>,
        %swap3A_175 = arith.constant 32 : index
        %swap3A_176 = tpu.vector_load %arg9[%swap3A_175] {strides = array<i32>} : memref<80xf32, #tpu.memory_space<vmem>>, vector<16xf32>,
        tpu.vector_store %arg9[%swap3A_175], %mul3A_170 {strides = array<i32>} : memref<80xf32, #tpu.memory_space<vmem>>, vector<16xf32>,
        %swap3A_177 = arith.constant 48 : index
        %swap3A_178 = tpu.vector_load %arg9[%swap3A_177] {strides = array<i32>} : memref<80xf32, #tpu.memory_space<vmem>>, vector<16xf32>,
        tpu.vector_store %arg9[%swap3A_177], %mul3A_171 {strides = array<i32>} : memref<80xf32, #tpu.memory_space<vmem>>, vector<16xf32>,
        %swap3A_179 = arith.constant 64 : index
        %swap3A_180 = tpu.vector_load %arg9[%swap3A_179] {strides = array<i32>} : memref<80xf32, #tpu.memory_space<vmem>>, vector<16xf32>,
        tpu.vector_store %arg9[%swap3A_179], %mul3A_172 {strides = array<i32>} : memref<80xf32, #tpu.memory_space<vmem>>, vector<16xf32>,
        %dma_wait3A = arith.constant 0 : i32
        %dma_wait3A_181 = tpu.memref_slice %arg8[%dma_wait3A] : memref<64xi32, #tpu.memory_space<vmem>> -> memref<56xi32, #tpu.memory_space<vmem>>
        %dma_wait3A_182 = arith.constant 0 : i32
        %dma_wait3A_183 = arith.constant 0 : i32
        %dma_wait3A_184 = tpu.memref_slice %arg5[%dma_wait3A_182, %dma_wait3A_183] : memref<5050x16xf32, #tpu.memory_space<hbm>> -> memref<5050x16xf32, #tpu.memory_space<hbm>>
        tpu.wait_indirect_dma semaphore(%arg14 : memref<!tpu.dma_semaphore, #tpu.memory_space<semaphore_mem>>) src(%dma_wait3A_184 : memref<5050x16xf32, #tpu.memory_space<hbm>>) dst(%arg12 : memref<56x16xf32, #tpu.memory_space<vmem>>)
        %broadcast_in_dim3A_185 = arith.constant 0.000000e+00 : f32
        %broadcast_in_dim3A_186 = vector.broadcast %broadcast_in_dim3A_185 : f32 to vector<16xf32>
        %scan3A_187 = arith.constant 0 : i32
        %scan3A_188 = arith.constant 50 : i32
        %scan3A_189 = arith.addi %scan3A_187, %scan3A_188 : i32
        %scan3A_190 = arith.constant 1 : i32
        %scan3A_191 = scf.for %scan3A_195 = %scan3A_187 to %scan3A_189 step %scan3A_190 iter_args(%scan3A_196 = %broadcast_in_dim3A_186) -> (vector<16xf32>)  : i32 {
          %mul3A_197 = arith.constant 0 : i32
          %mul3A_198 = vector.broadcast %mul3A_197 : i32 to vector<16xi32>
          %mul3A_199 = arith.muli %iota3A, %mul3A_198 : vector<16xi32>
          %add3A_200 = arith.constant 16 : i32
          %add3A_201 = arith.addi %add3A_200, %scan3A_195 : i32
          %add3A_202 = vector.broadcast %add3A_201 : i32 to vector<16xi32>
          %add3A_203 = arith.addi %mul3A_199, %add3A_202 : vector<16xi32>
          %gather3A = tpu.vector_load_idx %arg9[%add3A_203] : memref<80xf32, #tpu.memory_space<vmem>>[vector<16xi32>], vector<16xf32>,
          %bitcast3A = vector.bitcast %gather3A : vector<16xf32> to vector<16xi32>
          %add3A_204 = arith.constant 32767 : i32
          %add3A_205 = vector.broadcast %add3A_204 : i32 to vector<16xi32>
          %add3A_206 = arith.addi %bitcast3A, %add3A_205 : vector<16xi32>
          %shift_right_arithmetic3A = arith.constant 16 : i32
          %shift_right_arithmetic3A_207 = vector.broadcast %shift_right_arithmetic3A : i32 to vector<16xi32>
          %shift_right_arithmetic3A_208 = arith.shrsi %bitcast3A, %shift_right_arithmetic3A_207 : vector<16xi32>
          %and3A = arith.constant 1 : i32
          %and3A_209 = vector.broadcast %and3A : i32 to vector<16xi32>
          %and3A_210 = arith.andi %shift_right_arithmetic3A_208, %and3A_209 : vector<16xi32>
          %add3A_211 = arith.addi %add3A_206, %and3A_210 : vector<16xi32>
          %and3A_212 = arith.constant -65536 : i32
          %and3A_213 = vector.broadcast %and3A_212 : i32 to vector<16xi32>
          %and3A_214 = arith.andi %add3A_211, %and3A_213 : vector<16xi32>
          %bitcast3A_215 = vector.bitcast %and3A_214 : vector<16xi32> to vector<16xf32>
          %broadcast_in_dim3A_216 = arith.constant 0 : i32
          %broadcast_in_dim3A_217 = vector.broadcast %broadcast_in_dim3A_216 : i32 to vector<16xi32>
          %add3A_218 = vector.broadcast %scan3A_195 : i32 to vector<16xi32>
          %add3A_219 = arith.addi %broadcast_in_dim3A_217, %add3A_218 : vector<16xi32>
          %add3A_220 = arith.constant 0 : i32
          %add3A_221 = vector.broadcast %add3A_220 : i32 to vector<16xi32>
          %add3A_222 = arith.addi %iota3A, %add3A_221 : vector<16xi32>
          %gather3A_223 = tpu.vector_load_idx %arg12[%add3A_219, %add3A_222] : memref<56x16xf32, #tpu.memory_space<vmem>>[vector<16xi32>, vector<16xi32>], vector<16xf32>,
          %bitcast3A_224 = vector.bitcast %gather3A_223 : vector<16xf32> to vector<16xi32>
          %add3A_225 = arith.constant 32767 : i32
          %add3A_226 = vector.broadcast %add3A_225 : i32 to vector<16xi32>
          %add3A_227 = arith.addi %bitcast3A_224, %add3A_226 : vector<16xi32>
          %shift_right_arithmetic3A_228 = arith.constant 16 : i32
          %shift_right_arithmetic3A_229 = vector.broadcast %shift_right_arithmetic3A_228 : i32 to vector<16xi32>
          %shift_right_arithmetic3A_230 = arith.shrsi %bitcast3A_224, %shift_right_arithmetic3A_229 : vector<16xi32>
          %and3A_231 = arith.constant 1 : i32
          %and3A_232 = vector.broadcast %and3A_231 : i32 to vector<16xi32>
          %and3A_233 = arith.andi %shift_right_arithmetic3A_230, %and3A_232 : vector<16xi32>
          %add3A_234 = arith.addi %add3A_227, %and3A_233 : vector<16xi32>
          %and3A_235 = arith.constant -65536 : i32
          %and3A_236 = vector.broadcast %and3A_235 : i32 to vector<16xi32>
          %and3A_237 = arith.andi %add3A_234, %and3A_236 : vector<16xi32>
          %bitcast3A_238 = vector.bitcast %and3A_237 : vector<16xi32> to vector<16xf32>
          %mul3A_239 = arith.mulf %bitcast3A_215, %bitcast3A_238 : vector<16xf32>
          %add3A_240 = arith.addf %scan3A_196, %mul3A_239 : vector<16xf32>
          scf.yield %add3A_240 : vector<16xf32>
        }
        %scan3A_192 = arith.constant 50 : i32
        %swap3A_193 = arith.constant 0 : index
        %swap3A_194 = tpu.vector_load %arg13[%swap3A_193] {strides = array<i32>} : memref<64xf32, #tpu.memory_space<vmem>>, vector<16xf32>,
        tpu.vector_store %arg13[%swap3A_193], %scan3A_191 {strides = array<i32>} : memref<64xf32, #tpu.memory_space<vmem>>, vector<16xf32>,
        "tpu.region"() ({
          %run_scoped3A = tpu.sem_alloc : memref<!tpu.dma_semaphore, #tpu.memory_space<semaphore_mem>>
          %dma_start3A_195 = arith.constant 0 : i32
          %dma_start3A_196 = tpu.memref_slice %arg13[%dma_start3A_195] : memref<64xf32, #tpu.memory_space<vmem>> -> memref<16xf32, #tpu.memory_space<vmem>>
          %dma_start3A_197 = arith.constant 112 : i32
          %dma_start3A_198 = tpu.memref_slice %arg6[%dma_start3A_197] : memref<160xf32, #tpu.memory_space<hbm>> -> memref<16xf32, #tpu.memory_space<hbm>>
          %dma_start3A_199 = arith.constant 112 : i32
          %dma_start3A_200 = tpu.memref_slice %arg6[%dma_start3A_199] : memref<160xf32, #tpu.memory_space<hbm>> -> memref<16xf32, #tpu.memory_space<hbm>>
          %dma_start3A_201 = arith.constant 0 : i32
          %dma_start3A_202 = tpu.memref_slice %arg13[%dma_start3A_201] : memref<64xf32, #tpu.memory_space<vmem>> -> memref<16xf32, #tpu.memory_space<vmem>>
          tpu.enqueue_dma source(%dma_start3A_202 : memref<16xf32, #tpu.memory_space<vmem>>) target(%dma_start3A_200 : memref<16xf32, #tpu.memory_space<hbm>>) target_semaphore(%run_scoped3A : memref<!tpu.dma_semaphore, #tpu.memory_space<semaphore_mem>>)
          %dma_wait3A_203 = arith.constant 0 : i32
          %dma_wait3A_204 = tpu.memref_slice %arg13[%dma_wait3A_203] : memref<64xf32, #tpu.memory_space<vmem>> -> memref<16xf32, #tpu.memory_space<vmem>>
          %dma_wait3A_205 = arith.constant 112 : i32
          %dma_wait3A_206 = tpu.memref_slice %arg6[%dma_wait3A_205] : memref<160xf32, #tpu.memory_space<hbm>> -> memref<16xf32, #tpu.memory_space<hbm>>
          %dma_wait3A_207 = arith.constant 112 : i32
          %dma_wait3A_208 = tpu.memref_slice %arg6[%dma_wait3A_207] : memref<160xf32, #tpu.memory_space<hbm>> -> memref<16xf32, #tpu.memory_space<hbm>>
          %dma_wait3A_209 = arith.constant 0 : i32
          %dma_wait3A_210 = tpu.memref_slice %arg13[%dma_wait3A_209] : memref<64xf32, #tpu.memory_space<vmem>> -> memref<16xf32, #tpu.memory_space<vmem>>
          tpu.wait_dma2 semaphore(%run_scoped3A : memref<!tpu.dma_semaphore, #tpu.memory_space<semaphore_mem>>) src(%dma_wait3A_210 : memref<16xf32, #tpu.memory_space<vmem>>) dst(%dma_wait3A_208 : memref<16xf32, #tpu.memory_space<hbm>>)
          tpu.yield
        }) : () -> ()
      } else {
      }
    } else {
    }
    return
  }
}

</mosaic_0001>

<sc_bundles>
// kernel: kernel.3.cloned.1.call-start
scs
__scs_entry_jumppad:
0x0: {  	(pc) =	sbr.rel $0x88, $3  }
0x1: {  	(tag) =	ssettag $0x0;
	lr =	simm.s32 $0x1  }
0x2: {  	[smem:$0x3F99] =	sst lr;
	_ =	strace $0xD0000000  }
0x3: {  	_ = 	snop  }
0x4: {  	_ = 	snop  }
0x5: {  	_ = 	snop  }
0x6: {  	_ = 	snop  }
0x7: {  	_ = 	snop  }
__scs_overlays_trampoline_lowered:
0x8: {  	[smem:$0x3FA8] =	sst s0  }
0x9: {  	[smem:$0x3FA9] =	sst s1  }
0xa: {  	[smem:$0x3FAA] =	sst s2  }
0xb: {  	[smem:$0x3FAB] =	sst s3  }
0xc: {  	[smem:$0x3FAC] =	sst s4  }
0xd: {  	[smem:$0x3FAD] =	sst s5  }
0xe: {  	[smem:$0x3FAE] =	sst s6  }
0xf: {  	[smem:$0x3FAF] =	sst s7  }
0x10: {  	[smem:$0x3FB0] =	sst s8  }
0x11: {  	[smem:$0x3FB1] =	sst s9;
	s0 =	simm.s32 @!p0 $0x0  }
0x12: {  	s1 =	sld [smem:$0x3F97];
	s0 =	simm.s32 @p0 $0x1  }
0x13: {  	[smem:$0x3FB2] =	sst s0;
	s0 =	simm.s32 @!p1 $0x0  }
0x14: {  	s2 =	sld [smem:$0x3F96];
	s0 =	simm.s32 @p1 $0x1  }
0x15: {  	[smem:$0x3FB3] =	sst s0;
	s0 =	simm.s32 @!p2 $0x0  }
0x16: {  	s3 =	sld [smem:$0x3FDB];
	s0 =	simm.s32 @p2 $0x1  }
0x17: {  	s4 =	simm.s32 $0x1BF5;
	[smem:$0x3FB5] =	sst s0  }
0x18: {  	s0 =	sld [smem:$0x3F98];
	_ =	swait.ge [sflag:s4], $0x0  }
0x19: {  	s7 =	sld [smem:$0x3F99]  }
0x1a: {  	s8 =	sadd.s32 $0xFFFFE003, lr  }
0x1b: {  	s9 =	sadd.s32 $0xFFFFFEF7, lr;
	s5 =	simm.s32 $0xFFFFFFFF;
	p2 =	slt.u32 s8, $0xFFFFF086  }
0x1c: {  	p1 =	slt.u32 s9, $0xF7A;
	s5 =	simm.s32 @!p2 $0x0  }
0x1d: {  	s5 =	simm.s32 @p1 $0x1;
	p0 =	seq.s32 s7, s2  }
0x1e: {  	s7 =	smul.u32 @!p0 $0xF7A, s2;
	p2 =	seq.s32 @!p0 s5, $0x0  }
0x1f: {  	s9 =	smul.u32 $0xF7A, s1;
	s8 =	simm.s32 @!p0 $0x1BF5;
	p2 =	por !p2, p0  }
0x20: {  	[sflag:s8] =	ssyncset.s32 @!p0 $0xFFFFF086;
	s6 =	sadd.s32 @!p0 s3, s7;
	s7 =	simm.s32 @!p0 $0x108  }
0x21: {  	s3 =	sadd.s32 s3, s9;
	s6 =	sadd.s32 @!p0 $0x88, s6;
	s7 =	simm.s32 @p2 $0x1082  }
0x22: {  	[simem:s7], [sflag:s8] =	dma.local @!p0 [hbm:s6], $0xF7A  }
0x23: {  	s9 =	sor.u32 $0xD0000000, s2;
	s6 =	simm.s32 $0x108;
	_ =	swait.ge @!p0 [sflag:s8], $0x0  }
0x24: {  	s3 =	sadd.s32 $0x88, s3;
	s6 =	simm.s32 @!p1 $0x1082;
	[sflag:s4] =	ssyncset.s32 $0xFFFFF086  }
0x25: {  	[simem:s6], [sflag:s4] =	dma.local [hbm:s3], $0xF7A  }
0x26: {  	[smem:$0x3F99] =	sst s1;
	(tag) =	ssettag s2;
	_ =	strace s9  }
0x27: {  	s1 =	sld [smem:$0x3FA9]  }
0x28: {  	s2 =	sld [smem:$0x3FAA]  }
0x29: {  	s4 =	sld [smem:$0x3FAC]  }
0x2a: {  	p0 =	seq.s32 s5, $0x0;
	s5 =	sld [smem:$0x3FAD]  }
0x2b: {  	s6 =	sld [smem:$0x3FAE]  }
0x2c: {  	s7 =	sld [smem:$0x3FAF]  }
0x2d: {  	s3 =	simm.s32 $0x108;
	s8 =	sld [smem:$0x3FB0]  }
0x2e: {  	s3 =	simm.s32 @!p0 $0x1082;
	s9 =	sld [smem:$0x3FB1]  }
0x2f: {  	lr =	sadd.s32 s0, s3;
	s0 =	sld [smem:$0x3FA8]  }
0x30: {  	s3 =	sld [smem:$0x3FAB]  }
0x31: {  	[smem:$0x3FB4] =	sst s10  }
0x32: {  	s10 =	sld [smem:$0x3FB2];
	_ =	sdelay $0x3  }
0x33: {  	p0 =	seq.s32 s10, $0x1;
	s10 =	sld [smem:$0x3FB4];
	_ =	sdelay $0x3  }
0x34: {  	[smem:$0x3FB4] =	sst s10  }
0x35: {  	s10 =	sld [smem:$0x3FB3];
	_ =	sdelay $0x3  }
0x36: {  	p1 =	seq.s32 s10, $0x1;
	s10 =	sld [smem:$0x3FB4];
	_ =	sdelay $0x3  }
0x37: {  	[smem:$0x3FB4] =	sst s10  }
0x38: {  	s10 =	sld [smem:$0x3FB5]  }
0x39: {  	_ = 	snop;
	(pc) =	sbr.ind lr, $3  }
0x3a: {  	_ = 	snop  }
0x3b: {  	_ = 	snop  }
0x3c: {  	p2 =	seq.s32 s10, $0x1;
	s10 =	sld [smem:$0x3FB4]  }
0x3d: {  	_ =	shalt  }
0x3e: {  	_ =	shalt  }
0x3f: {  	_ =	shalt  }
0x40: {  	_ =	shalt  }
0x41: {  	_ =	shalt  }
0x42: {  	_ =	shalt  }
0x43: {  	_ =	shalt  }
0x44: {  	_ =	shalt  }
0x45: {  	_ =	shalt  }
0x46: {  	_ =	shalt  }
0x47: {  	_ =	shalt  }
0x48: {  	_ =	shalt  }
0x49: {  	_ =	shalt  }
0x4a: {  	_ =	shalt  }
0x4b: {  	_ =	shalt  }
0x4c: {  	_ =	shalt  }
0x4d: {  	_ =	shalt  }
0x4e: {  	_ =	shalt  }
0x4f: {  	_ =	shalt  }
0x50: {  	_ =	shalt  }
0x51: {  	_ =	shalt  }
0x52: {  	_ =	shalt  }
0x53: {  	_ =	shalt  }
0x54: {  	_ =	shalt  }
0x55: {  	_ =	shalt  }
0x56: {  	_ =	shalt  }
0x57: {  	_ =	shalt  }
0x58: {  	_ =	shalt  }
0x59: {  	_ =	shalt  }
0x5a: {  	_ =	shalt  }
0x5b: {  	_ =	shalt  }
0x5c: {  	_ =	shalt  }
0x5d: {  	_ =	shalt  }
0x5e: {  	_ =	shalt  }
0x5f: {  	_ =	shalt  }
0x60: {  	_ =	shalt  }
0x61: {  	_ =	shalt  }
0x62: {  	_ =	shalt  }
0x63: {  	_ =	shalt  }
0x64: {  	_ =	shalt  }
0x65: {  	_ =	shalt  }
0x66: {  	_ =	shalt  }
0x67: {  	_ =	shalt  }
0x68: {  	_ =	shalt  }
0x69: {  	_ =	shalt  }
0x6a: {  	_ =	shalt  }
0x6b: {  	_ =	shalt  }
0x6c: {  	_ =	shalt  }
0x6d: {  	_ =	shalt  }
0x6e: {  	_ =	shalt  }
0x6f: {  	_ =	shalt  }
0x70: {  	_ =	shalt  }
0x71: {  	_ =	shalt  }
0x72: {  	_ =	shalt  }
0x73: {  	_ =	shalt  }
0x74: {  	_ =	shalt  }
0x75: {  	_ =	shalt  }
0x76: {  	_ =	shalt  }
0x77: {  	_ =	shalt  }
0x78: {  	_ =	shalt  }
0x79: {  	_ =	shalt  }
0x7a: {  	_ =	shalt  }
0x7b: {  	_ =	shalt  }
0x7c: {  	_ =	shalt  }
0x7d: {  	_ =	shalt  }
0x7e: {  	_ =	shalt  }
0x7f: {  	_ =	shalt  }
0x80: {  	_ =	shalt  }
0x81: {  	_ =	shalt  }
0x82: {  	_ =	shalt  }
0x83: {  	_ =	shalt  }
0x84: {  	_ =	shalt  }
0x85: {  	_ =	shalt  }
0x86: {  	_ =	shalt  }
0x87: {  	_ =	shalt  }
.Lfunc_end0:
.L_simem_size_0:
called_computation_lowered:
.L_overlay_start_0:
0x88: {  	s0 =	sld [smem:$0x3FD9]  }
0x89: {  	s1 =	sld [smem:$0x3FFE];
	_ =	sdelay $0x3  }
0x8a: {  	s0 =	sadd.s32 s1, s0  }
0x8b: {  	[smem:$0x3FC0] =	sst s0  }
0x8c: {  	_ = 	snop  }
0x8d: {  	s0 =	sld [smem:$0x3FD0];
	_ =	sdelay $0x2  }
0x8e: {  	s13 =	simm.s32 $0xA;
	s2 =	simm.s32 $0x10  }
0x8f: {  	[smem:s2], [sflag:s13] =	dma.local [hbm:s0], $0x1  }
0x90: {  	_ =	swait.eq [sflag:s13], $0x1  }
0x91: {  	[sflag:s13] =	ssyncset.done $0x0  }
0x92: {  	[sflag:s13] =	ssyncadd.s32 $0xFFFFFFFF  }
0x93: {  	s14 =	sld [smem:$0x12];
	(tm) =	ssettm $0x1  }
0x94: {  	s15 =	sld [smem:$0x3FFB];
	_ =	sdelay $0x3  }
0x95: {  	_ =	strace s15  }
0x96: {  	s1 =	sld [smem:$0x3FFC];
	_ =	sdelay $0x3  }
0x97: {  	_ =	strace s1  }
0x98: {  	s1 =	sld [smem:$0x3FFD];
	_ =	sdelay $0x3  }
0x99: {  	_ =	strace s1  }
0x9a: {  	_ =	strace $0x8FFFFFFF  }
0x9b: {  	s16 =	sld [smem:$0x3FDB];
	_ =	sdelay $0x1  }
0x9c: {  	s17 =	simm.s32 $_scs_section_size  }
0x9d: {  	s3 =	simm.s32 $_size__tile_overlayer_lowered;
	s4 =	simm.s32 $_tile_overlayer_lowered  }
0x9e: {  	s20 =	simm.s32 $0x1BFF;
	s19 =	sshll.u32 s4, $0x1;
	s1 =	sadd.s32 s17, s16  }
0x9f: {  	s5 =	simm.s32 $0x0;
	s18 =	sshll.u32 s3, $0x1;
	s3 =	sadd.s32 s19, s1  }
0xa0: {  	[timem:s5], [sflag:s20] =	dma.local [hbm:s3], s18  }
0xa1: {  	_ =	swait.ge [sflag:s20], s18  }
0xa2: {  	s2 =	ssub.s32 $0x0, s18;
	[sflag:s20] =	ssyncset.done $0x0  }
0xa3: {  	[sflag:s20] =	ssyncadd.s32 s2;
	_ =	sdelay $0x1  }
0xa4: {  	s21 =	simm.s32 $0x1B8B  }
0xa5: {  	_ =	swait.ge [sflag:s21], $0x1  }
0xa6: {  	[sflag:s21] =	ssyncset.done $0x0  }
0xa7: {  	s23 =	simm.s32 $0x1B8E;
	s22 =	sld [smem:$0x3FFE];
	[sflag:s21] =	ssyncadd.s32 $0xFFFFFFFF  }
0xa8: {  	s24 =	simm.s32 $execute0_lowered;
	[smem:$0x3FD2] =	sst s23  }
0xa9: {  	s3 =	sshll.u32 s24, $0x1;
	_ =	strace $0x80000046;
	[dreg:$0x1] =	wrdreg $0xFFFFFFFF  }
0xaa: {  	s25 =	simm.s32 $_size_execute0_lowered;
	s1 =	sadd.s32 s1, s3;
	[dreg:$0x0] =	wrdreg $0x0  }
0xab: {  	s3 =	sshll.u32 s25, $0x1;
	[dreg:$0x2] =	wrdreg s1  }
0xac: {  	[dreg:$0x3] =	wrdreg s3  }
0xad: {  	[dreg:$0x4] =	wrdreg $0xC0  }
0xae: {  	_ =	task [dreg:s5], $0x5FFFF  }
0xaf: {  	[dreg:$0x1] =	wrdreg $0xFFFFFFFF  }
0xb0: {  	[dreg:$0x0] =	wrdreg $0x60  }
0xb1: {  	[dreg:$0x2] =	wrdreg s22  }
0xb2: {  	[dreg:$0x3] =	wrdreg s14  }
0xb3: {  	[dreg:$0x4] =	wrdreg $0x9  }
0xb4: {  	_ =	task.clear_ibuf [dreg:s5], $0x5FFFF;
	_ =	strace $0x90000046  }
0xb5: {  	s26 =	simm.s32 $0x9;
	_ =	strace $0x80000048  }
0xb6: {  	_ =	swait.ge [sflag:s26], $0x1  }
0xb7: {  	[sflag:s26] =	ssyncadd.s32 $0xFFFFFFFF  }
0xb8: {  	_ =	strace $0x90000048  }
0xb9: {  	_ =	sfence  }
0xba: {  	s28 =	sld [smem:$0x0];
	_ =	sdelay $0x1  }
0xbb: {  	s29 =	srdreg.scid  }
0xbc: {  	s30 =	sshll.u32 s29, $0xD;
	s31 =	sshrl.u32 s29, $0x2  }
0xbd: {  	s2 =	sand.u32 $0x4000, s30;
	s1 =	sand.u32 $0x1, s29;
	s0 =	sadd.s32 s31, s28  }
0xbe: {  	s1 =	sor.u32 s2, s1;
	s0 =	sshll.u32 s0, $0x11  }
0xbf: {  	s0 =	sor.u32 s0, s1  }
0xc0: {  	s0 =	sadd.s32 $0x8F2B, s0  }
0xc1: {  	[sflag:s0] =	ssyncadd.remote.s32 $0x1  }
0xc2: {  	_ =	sfence.sel $0xFFFF  }
0xc3: {  	[dreg:$0x0] =	wrdreg $0xFFFFFFFF;
	(pc) =	sbr.abs _section_cstart, $3  }
0xc4: {  	[dreg:$0x1] =	wrdreg $0xFFFFFFFF  }
0xc5: {  	_ =	task.clear_ibuf [dreg:s5], $0x2FFFF;
	_ =	strace $0x9FFFFFFF  }
0xc6: {  	(tm) =	ssettm $0x7FFFFFFF  }
0xc7: {  	_ =	shalt  }
tec
execute0_lowered:
.L_overlay_start_1:
0x0: {  	(tag) =	ssettag $0x1  }
0x1: {  	s1 =	stileid.u32  }
0x2: {  	p0 =	sgt.u32 s1, $0x2  }
.Ltmp0:
0x3: {  	_ = 	snop;
	(pc) =	sbr.rel @p0 .LBB2_18-.Ltmp0, $4  }
0x4: {  	s3 =	rddreg [dreg:$0x0]  }
0x5: {  	s2 =	rddreg [dreg:$0x1];
	s4 =	simm.s32 $0x0  }
0x6: {  	[smem:$0x7FF] =	sst s4  }
0x7: {  	s0 =	rddreg [dreg:$0x2];
	_ =	strace $0x80000047  }
0x8: {  	s5 =	sadd.s32 $0x15000, s3;
	s31 =	simm.s32 $0x2  }
0x9: {  	[tilespmem:s4], [sflag:$0x2] =	stream.linear.gather [hbm4b:s5+s4], $0x218, $0x38;
	[tilespmem:$0x1EE8] =	vst v63  }
0xa: {  	_ =	swait.ge [sflag:s31], $0x218  }
0xb: {  	[sflag:s31] =	ssyncset.done $0x0  }
0xc: {  	[sflag:s31] =	ssyncadd.s32 $0xFFFFFDE8  }
0xd: {  	v0 =	vld [tilespmem:$0x0];
	_ =	sdelay $0x4  }
0xe: {  	v1 =	vmul.f32 $1.010000000e+02, v0;
	_ =	sdelay $0x1  }
0xf: {  	v0 =	vlaneseq.u32;
	v1 =	vtrunc.f32 v1  }
0x10: {  	v2 =	vmul.u32 $0x65, v0;
	v1 =	vcvt.f32.s32 v1  }
0x11: {  	p0 =	seq.s32 s1, $0x2  }
.Ltmp1:
0x12: {  	v63 =	vimm.s32 $0x1355;
	v3 =	vadd.s32 $0x650, v2;
	v4 =	vadd.s32 v2, v1;
	(pc) =	sbr.rel @p0 .LBB2_13-.Ltmp1, $4  }
0x13: {  	vm0 =	vcmask $0x300;
	v3 =	vadd.s32 v3, v1;
	v2 =	vadd.s32 $0xCA0, v2;
	[tilespmem:$0x218] =	vst v4  }
0x14: {  	[tilespmem:$0x228] =	vst v3;
	v2 =	vadd.s32 v2, v1;
	v3 =	vsel vm0, $0x12F0, v63  }
0x15: {  	[tilespmem:$0x238] =	vst v2;
	v1 =	vadd.s32 v3, v1  }
0x16: {  	s4 =	simm.s32 $0x11;
	[tilespmem:$0x248] =	vst v1  }
0x17: {  	p0 =	seq.s32 s1, $0x1  }
.Ltmp2:
0x18: {  	_ = 	snop;
	(pc) =	sbr.rel @!p0 .LBB2_3-.Ltmp2, $3  }
0x19: {  	_ =	sdelay $0x1  }
0x1a: {  	v0 =	vimm.s32 $0x1EA  }
0x1b: {  	v1 =	vsel vm0, $0x1E0, v0;
	v0 =	vmov s4;
	s4 =	simm.s32 $0x20  }
0x1c: {  	s3 =	sadd.s32 $0xB000, s3;
	v5 =	vadd.s32 s4, v1  }
0x1d: {  	s5 =	simm.s32 $0x38;
	s6 =	simm.s32 $0x218;
	s7 =	simm.s32 $0x10A8;
	v2 =	vlaneseq.u32  }
0x1e: {  	[tilespmem:s7], [sflag:$0x1] =	stream.indirect.gather [hbm4b:s3+s5], $0x30, s6, s5, $0xb8;
	v4 =	vmul.u32 $0xA, v2;
	[tilespmem:$0x1EE8] =	vst v63  }
0x1f: {  	s3 =	simm.s32 $0x0  }
0x20: {  	v7 =	vld.idx.msk [tilespmem:v0+s3+$0x0], $0xffff;
	v2 =	vadd.s32 $0xA0, v4;
	v6 =	vadd.s32 s4, v4  }
0x21: {  	v3 =	vadd.s32 $0x140, v4;
	v8 =	vadd.s32 s4, v2;
	v5 =	vld.idx.msk [tilespmem:v5+s3+$0x0], $0xffff  }
0x22: {  	v9 =	vadd.s32 s4, v3  }
0x23: {  	s30 =	simm.s32 $0x21  }
0x24: {  	v14 =	vadd.s32 s30, v1  }
0x25: {  	s29 =	simm.s32 $0x12;
	v6 =	vld.idx.msk [tilespmem:v6+s3+$0x0], $0xffff  }
0x26: {  	v12 =	vmov s29;
	v10 =	vld.idx.msk [tilespmem:v8+s3+$0x0], $0xffff;
	v8 =	vshrl.u32 v7, $0x10;
	v11 =	vshrl.u32 v5, $0x10  }
0x27: {  	v0 =	vimm.f32 $0.0e+00;
	v9 =	vld.idx.msk [tilespmem:v9+s3+$0x0], $0xffff;
	v8 =	vand.u32 $0x1, v8;
	v11 =	vand.u32 $0x1, v11  }
0x28: {  	v15 =	vadd.s32 s30, v2;
	v7 =	vadd.s32 v8, v7;
	v5 =	vadd.s32 v11, v5  }
0x29: {  	v17 =	vadd.s32 s30, v3;
	v14 =	vld.idx.msk [tilespmem:v14+s3+$0x0], $0xffff;
	v7 =	vadd.s32 $0x7FFF, v7;
	v5 =	vadd.s32 $0x7FFF, v5  }
0x2a: {  	v11 =	vadd.s32 s30, v4;
	v16 =	vand.u32 $0xFFFF0000, v7;
	v5 =	vand.u32 $0xFFFF0000, v5  }
0x2b: {  	v7 =	vshrl.u32 v6, $0x10;
	v8 =	vshrl.u32 v10, $0x10;
	v5 =	vmul.f32 v5, v16  }
0x2c: {  	v13 =	vld.idx.msk [tilespmem:v12+s3+$0x0], $0xffff;
	v7 =	vand.u32 $0x1, v7;
	v12 =	vshrl.u32 v9, $0x10;
	v18 =	vand.u32 $0x1, v8  }
0x2d: {  	v12 =	vand.u32 $0x1, v12;
	v8 =	vadd.f32 v5, v0;
	v5 =	vadd.s32 v7, v6  }
0x2e: {  	v6 =	vadd.s32 v18, v10;
	v7 =	vadd.s32 v12, v9;
	v18 =	vshrl.u32 v14, $0x10  }
0x2f: {  	v5 =	vadd.s32 $0x7FFF, v5;
	v6 =	vadd.s32 $0x7FFF, v6;
	v7 =	vadd.s32 $0x7FFF, v7  }
0x30: {  	v5 =	vand.u32 $0xFFFF0000, v5;
	v6 =	vand.u32 $0xFFFF0000, v6;
	v9 =	vand.u32 $0xFFFF0000, v7  }
0x31: {  	s31 =	simm.s32 $0x13;
	v10 =	vld.idx.msk [tilespmem:v11+s3+$0x0], $0xffff;
	v12 =	vmul.f32 v5, v16;
	v5 =	vmul.f32 v9, v16;
	v9 =	vshrl.u32 v13, $0x10  }
0x32: {  	v11 =	vld.idx.msk [tilespmem:v15+s3+$0x0], $0xffff;
	v15 =	vmov s31;
	v7 =	vmul.f32 v6, v16;
	v16 =	vand.u32 $0x1, v9  }
0x33: {  	s2 =	sadd.s32 $0x8, s2;
	s5 =	simm.s32 $0x22;
	s4 =	simm.s32 $0x14;
	v9 =	vimm.f32 $0.0e+00;
	v6 =	vadd.f32 v12, v0;
	v12 =	vld.idx.msk [tilespmem:v17+s3+$0x0], $0xffff;
	v17 =	vand.u32 $0x1, v18  }
.LBB2_9:
0x34: {  	p0 =	sne.s32 s4, $0x1A;
	v18 =	vadd.s32 s5, v1;
	v13 =	vadd.s32 v16, v13;
	v14 =	vadd.s32 v17, v14  }
0x35: {  	v16 =	vadd.s32 s5, v4;
	v13 =	vadd.s32 $0x7FFF, v13;
	v14 =	vadd.s32 $0x7FFF, v14  }
0x36: {  	v17 =	vadd.s32 s5, v2;
	v19 =	vand.u32 $0xFFFF0000, v13;
	v13 =	vand.u32 $0xFFFF0000, v14  }
0x37: {  	v20 =	vadd.s32 s5, v3;
	v14 =	vshrl.u32 v10, $0x10;
	v21 =	vmul.f32 v13, v19  }
0x38: {  	v22 =	vshrl.u32 v11, $0x10;
	v23 =	vshrl.u32 v12, $0x10;
	v13 =	vld.idx.msk [tilespmem:v15+s3+$0x0], $0xffff;
	v15 =	vand.u32 $0x1, v14  }
0x39: {  	v14 =	vld.idx.msk [tilespmem:v18+s3+$0x0], $0xffff;
	v18 =	vand.u32 $0x1, v22;
	v22 =	vand.u32 $0x1, v23;
	v8 =	vadd.f32 v21, v8  }
0x3a: {  	v15 =	vadd.s32 v15, v10;
	v10 =	vld.idx.msk [tilespmem:v16+s3+$0x0], $0xffff;
	v16 =	vadd.s32 v18, v11;
	v12 =	vadd.s32 v22, v12  }
0x3b: {  	v15 =	vadd.s32 $0x7FFF, v15;
	v11 =	vld.idx.msk [tilespmem:v17+s3+$0x0], $0xffff;
	v16 =	vadd.s32 $0x7FFF, v16;
	v17 =	vadd.s32 $0x7FFF, v12  }
.Ltmp3:
0x3c: {  	v15 =	vand.u32 $0xFFFF0000, v15;
	v12 =	vld.idx.msk [tilespmem:v20+s3+$0x0], $0xffff;
	v16 =	vand.u32 $0xFFFF0000, v16;
	v17 =	vand.u32 $0xFFFF0000, v17;
	(pc) =	sbr.rel @p0 .LBB2_9-.Ltmp3, $4  }
0x3d: {  	v0 =	vadd.f32 v7, v0;
	v15 =	vmul.f32 v15, v19;
	v7 =	vmul.f32 v16, v19  }
0x3e: {  	v9 =	vadd.f32 v5, v9;
	v5 =	vmul.f32 v17, v19  }
0x3f: {  	v16 =	vshrl.u32 v13, $0x10;
	v17 =	vshrl.u32 v14, $0x10;
	v6 =	vadd.f32 v15, v6  }
0x40: {  	s5 =	sadd.s32 $0xF, s4;
	v15 =	vmov s4;
	s4 =	sadd.s32 $0x1, s4;
	v16 =	vand.u32 $0x1, v16;
	v17 =	vand.u32 $0x1, v17  }
0x41: {  	v1 =	vadd.s32 s5, v1  }
0x42: {  	v13 =	vadd.s32 v16, v13;
	v14 =	vadd.s32 v17, v14;
	v4 =	vadd.s32 s5, v4  }
0x43: {  	v2 =	vadd.s32 s5, v2;
	v3 =	vadd.s32 s5, v3;
	v16 =	vshrl.u32 v10, $0x10  }
0x44: {  	v17 =	vshrl.u32 v11, $0x10;
	v18 =	vshrl.u32 v12, $0x10;
	v0 =	vadd.f32 v7, v0  }
0x45: {  	v15 =	vld.idx.msk [tilespmem:v15+s3+$0x0], $0xffff;
	v5 =	vadd.f32 v5, v9;
	v13 =	vadd.s32 $0x7FFF, v13;
	v14 =	vadd.s32 $0x7FFF, v14  }
0x46: {  	v16 =	vand.u32 $0x1, v16;
	v17 =	vand.u32 $0x1, v17;
	v18 =	vand.u32 $0x1, v18  }
0x47: {  	v13 =	vand.u32 $0xFFFF0000, v13;
	v14 =	vand.u32 $0xFFFF0000, v14;
	v10 =	vadd.s32 v16, v10;
	v1 =	vld.idx.msk [tilespmem:v1+s3+$0x0], $0xffff  }
0x48: {  	v11 =	vadd.s32 v17, v11;
	v12 =	vadd.s32 v18, v12;
	v14 =	vmul.f32 v14, v13;
	v4 =	vld.idx.msk [tilespmem:v4+s3+$0x0], $0xffff  }
0x49: {  	v10 =	vadd.s32 $0x7FFF, v10;
	v11 =	vadd.s32 $0x7FFF, v11;
	v12 =	vadd.s32 $0x7FFF, v12;
	v2 =	vld.idx.msk [tilespmem:v2+s3+$0x0], $0xffff  }
0x4a: {  	v10 =	vand.u32 $0xFFFF0000, v10;
	v8 =	vadd.f32 v14, v8;
	v3 =	vld.idx.msk [tilespmem:v3+s3+$0x0], $0xffff;
	v14 =	vshrl.u32 v15, $0x10  }
0x4b: {  	v11 =	vand.u32 $0xFFFF0000, v11;
	v10 =	vmul.f32 v10, v13;
	v7 =	vand.u32 $0x1, v14  }
0x4c: {  	v12 =	vand.u32 $0xFFFF0000, v12;
	v11 =	vmul.f32 v11, v13;
	v7 =	vadd.s32 v7, v15  }
0x4d: {  	v12 =	vmul.f32 v12, v13;
	v6 =	vadd.f32 v10, v6;
	v7 =	vadd.s32 $0x7FFF, v7  }
0x4e: {  	v0 =	vadd.f32 v11, v0;
	v7 =	vand.u32 $0xFFFF0000, v7;
	v16 =	vshrl.u32 v1, $0x10  }
0x4f: {  	v9 =	vshrl.u32 v4, $0x10;
	v10 =	vshrl.u32 v2, $0x10;
	v13 =	vshrl.u32 v3, $0x10  }
0x50: {  	v14 =	vand.u32 $0x1, v16;
	v9 =	vand.u32 $0x1, v9;
	v10 =	vand.u32 $0x1, v10  }
0x51: {  	v13 =	vand.u32 $0x1, v13;
	v1 =	vadd.s32 v14, v1;
	v4 =	vadd.s32 v9, v4  }
0x52: {  	v2 =	vadd.s32 v10, v2;
	v3 =	vadd.s32 v13, v3;
	v1 =	vadd.s32 $0x7FFF, v1  }
0x53: {  	v4 =	vadd.s32 $0x7FFF, v4;
	v2 =	vadd.s32 $0x7FFF, v2;
	v3 =	vadd.s32 $0x7FFF, v3  }
0x54: {  	v1 =	vand.u32 $0xFFFF0000, v1;
	v4 =	vand.u32 $0xFFFF0000, v4;
	v2 =	vand.u32 $0xFFFF0000, v2  }
0x55: {  	v3 =	vand.u32 $0xFFFF0000, v3;
	v4 =	vmul.f32 v4, v7;
	v2 =	vmul.f32 v2, v7  }
0x56: {  	v5 =	vadd.f32 v12, v5;
	v1 =	vmul.f32 v1, v7;
	v3 =	vmul.f32 v3, v7  }
0x57: {  	v4 =	vadd.f32 v4, v6;
	v0 =	vadd.f32 v2, v0  }
0x58: {  	v1 =	vadd.f32 v1, v8;
	v2 =	vadd.f32 v3, v5  }
0x59: {  	v3 =	vmul.f32 $3.162277640e-01, v4;
	v0 =	vmul.f32 $3.162277640e-01, v0  }
0x5a: {  	v2 =	vmul.f32 $3.162277640e-01, v2;
	v1 =	vmul.f32 $3.162277640e-01, v1;
	_ =	sdelay $0x1  }
0x5b: {  	v4 =	vmax.f32 v3, v0;
	v5 =	vmax.f32 v2, v1  }
0x5c: {  	v4 =	vmax.f32 v4, v5  }
0x5d: {  	(xrf0) =	vmax.scan.msk.f32 $0xffff, v4;
	_ =	sdelay $0x5  }
0x5e: {  	v4, _, _ =	vpop (xrf0)  }
0x5f: {  	v4 =	vbroadcast v4, $0xF;
	_ =	sdelay $0x1  }
0x60: {  	v3 =	vsub.f32 v3, v4  }
0x61: {  	v0 =	vsub.f32 v0, v4  }
0x62: {  	v3 =	vmul.f32 $1.442695020e+00, v3  }
0x63: {  	v2 =	vsub.f32 v2, v4;
	v0 =	vmul.f32 $1.442695020e+00, v0  }
0x64: {  	v1 =	vsub.f32 v1, v4;
	(erf) = vpow2.f32 v3  }
0x65: {  	(erf) = vpow2.f32 v0;
	v0 =	vmul.f32 $1.442695020e+00, v2  }
0x66: {  	v1 =	vmul.f32 $1.442695020e+00, v1  }
0x67: {  	(erf) = vpow2.f32 v0  }
0x68: {  	(erf) = vpow2.f32 v1;
	_ =	sdelay $0x4  }
0x69: {  	v0 =	vpop (erf)  }
0x6a: {  	v1 =	vpop (erf)  }
0x6b: {  	v2 =	vadd.f32 v1, v0  }
0x6c: {  	v3 =	vpop (erf)  }
0x6d: {  	vm0 =	vmmov $0x3;
	v4 =	vpop (erf);
	v2 =	vadd.f32 v2, v3  }
0x6e: {  	v4 =	vnsel vm0, $0x0, v4  }
0x6f: {  	v2 =	vadd.f32 v2, v4;
	_ =	sdelay $0x1  }
0x70: {  	(xrf2) =	vadd.scan.msk.f32 $0xffff, v2;
	_ =	sdelay $0x9  }
0x71: {  	v2, _, _ =	vpop (xrf2)  }
0x72: {  	v2 =	vbroadcast v2, $0xF;
	_ =	sdelay $0x1  }
0x73: {  	(erf) = vrcp.f32 v2;
	_ =	sdelay $0x8  }
0x74: {  	v2 =	vpop (erf)  }
0x75: {  	s24 =	simm.s32 $0x0;
	v0 =	vmul.f32 v2, v0  }
0x76: {  	v5 =	vmov s24;
	v1 =	vmul.f32 v2, v1  }
0x77: {  	v5 =	vmul.u32 $0x30, v5;
	v3 =	vmul.f32 v2, v3;
	[tilespmem:$0x268] =	vst v0  }
0x78: {  	s25 =	simm.s32 $0x10;
	v2 =	vmul.f32 v2, v4;
	[tilespmem:$0x278] =	vst v1  }
0x79: {  	v4 =	vbroadcast v5, $0x0;
	v0 =	vlaneseq.u32;
	[tilespmem:$0x288] =	vst v3;
	v3 =	vmov s25  }
0x7a: {  	s26 =	simm.s32 $0x1;
	[tilespmem:$0x298] =	vst v2;
	v1 =	vor.u32 $0x20, v0  }
0x7b: {  	_ =	swait.ge [sflag:s26], $0xA80;
	v5 =	vadd.s32 v1, v4  }
0x7c: {  	v6 =	vor.u32 v0, v4;
	[sflag:s26] =	ssyncset.done $0x0  }
0x7d: {  	s4 =	simm.s32 $0x258;
	s28 =	simm.s32 $0x1;
	v2 =	vor.u32 $0x10, v0;
	[sflag:s26] =	ssyncadd.s32 $0xFFFFF580  }
0x7e: {  	s29 =	simm.s32 $0x11;
	v4 =	vadd.s32 v2, v4;
	v7 =	vld.idx.msk [tilespmem:v3+s4+$0x0], $0xffff;
	v3 =	vmov s28  }
0x7f: {  	s3 =	simm.s32 $0x10A8;
	v9 =	vmov s29;
	v3 =	vmul.u32 $0x30, v3  }
0x80: {  	v5 =	vld.idx.msk [tilespmem:v5+s3+$0x0], $0xffff  }
0x81: {  	v6 =	vld.idx.msk [tilespmem:v6+s3+$0x0], $0xffff;
	v8 =	vbroadcast v3, $0x0  }
0x82: {  	s30 =	simm.s32 $0x2  }
0x83: {  	v14 =	vmov s30;
	v4 =	vld.idx.msk [tilespmem:v4+s3+$0x0], $0xffff;
	v10 =	vadd.s32 v1, v8;
	v11 =	vshrl.u32 v7, $0x10  }
0x84: {  	v9 =	vld.idx.msk [tilespmem:v9+s4+$0x0], $0xffff;
	v13 =	vor.u32 v0, v8;
	v8 =	vadd.s32 v2, v8;
	v11 =	vand.u32 $0x1, v11  }
0x85: {  	v3 =	vimm.f32 $0.0e+00;
	v12 =	vshrl.u32 v5, $0x10;
	v7 =	vadd.s32 v11, v7  }
0x86: {  	v11 =	vshrl.u32 v6, $0x10;
	v12 =	vand.u32 $0x1, v12;
	v7 =	vadd.s32 $0x7FFF, v7  }
0x87: {  	v11 =	vand.u32 $0x1, v11;
	v5 =	vadd.s32 v12, v5;
	v12 =	vand.u32 $0xFFFF0000, v7  }
0x88: {  	v7 =	vshrl.u32 v4, $0x10;
	v6 =	vadd.s32 v11, v6;
	v5 =	vadd.s32 $0x7FFF, v5;
	v10 =	vld.idx.msk [tilespmem:v10+s3+$0x0], $0xffff  }
0x89: {  	v7 =	vand.u32 $0x1, v7;
	v6 =	vadd.s32 $0x7FFF, v6;
	v17 =	vld.idx.msk [tilespmem:v8+s3+$0x0], $0xffff;
	v8 =	vshrl.u32 v9, $0x10  }
0x8a: {  	v5 =	vand.u32 $0xFFFF0000, v5;
	v4 =	vadd.s32 v7, v4;
	v7 =	vmul.u32 $0x30, v14  }
0x8b: {  	v6 =	vand.u32 $0xFFFF0000, v6;
	v8 =	vand.u32 $0x1, v8;
	v5 =	vmul.f32 v5, v12  }
0x8c: {  	s31 =	simm.s32 $0x12;
	v14 =	vld.idx.msk [tilespmem:v13+s3+$0x0], $0xffff;
	v4 =	vadd.s32 $0x7FFF, v4;
	v8 =	vadd.s32 v8, v9;
	v11 =	vbroadcast v7, $0x0  }
0x8d: {  	v7 =	vmul.f32 v6, v12;
	v4 =	vand.u32 $0xFFFF0000, v4;
	v6 =	vmov s31  }
0x8e: {  	v4 =	vmul.f32 v4, v12;
	v13 =	vadd.s32 v1, v11;
	v12 =	vshrl.u32 v10, $0x10  }
0x8f: {  	v8 =	vadd.s32 $0x7FFF, v8;
	v16 =	vor.u32 v0, v11;
	v15 =	vand.u32 $0x1, v12  }
0x90: {  	v5 =	vadd.f32 v5, v3;
	v12 =	vadd.s32 v2, v11;
	v9 =	vadd.s32 v15, v10  }
0x91: {  	s5 =	simm.s32 $0x3;
	v11 =	vand.u32 $0xFFFF0000, v8;
	v10 =	vshrl.u32 v14, $0x10;
	v9 =	vadd.s32 $0x7FFF, v9  }
0x92: {  	v15 =	vmov s5;
	v8 =	vld.idx.msk [tilespmem:v6+s4+$0x0], $0xffff;
	v6 =	vshrl.u32 v17, $0x10;
	v9 =	vand.u32 $0xFFFF0000, v9  }
0x93: {  	v18 =	vand.u32 $0x1, v10;
	v19 =	vand.u32 $0x1, v6;
	v10 =	vld.idx.msk [tilespmem:v13+s3+$0x0], $0xffff;
	v13 =	vmul.f32 v9, v11  }
0x94: {  	s6 =	simm.s32 $0x4;
	v6 =	vld.idx.msk [tilespmem:v16+s3+$0x0], $0xffff;
	v16 =	vadd.s32 v18, v14;
	v14 =	vadd.s32 v19, v17;
	v9 =	vimm.f32 $0.0e+00  }
.LBB2_11:
0x95: {  	p0 =	sne.s32 s6, $0x31;
	v15 =	vmul.u32 $0x30, v15;
	v17 =	vld.idx.msk [tilespmem:v12+s3+$0x0], $0xffff;
	v12 =	vadd.s32 $0x7FFF, v16;
	v5 =	vadd.f32 v13, v5  }
0x96: {  	v13 =	vadd.s32 $0x7FFF, v14;
	v3 =	vadd.f32 v7, v3;
	v12 =	vand.u32 $0xFFFF0000, v12  }
0x97: {  	s7 =	sadd.s32 $0x10, s5;
	s5 =	smov.u32 s6;
	v14 =	vbroadcast v15, $0x0;
	v7 =	vmul.f32 v12, v11;
	v12 =	vand.u32 $0xFFFF0000, v13  }
0x98: {  	v9 =	vadd.f32 v4, v9;
	v13 =	vmov s7;
	v4 =	vmul.f32 v12, v11  }
0x99: {  	v11 =	vshrl.u32 v8, $0x10;
	v12 =	vshrl.u32 v10, $0x10;
	v15 =	vadd.s32 v1, v14  }
0x9a: {  	v18 =	vor.u32 v0, v14;
	v11 =	vand.u32 $0x1, v11;
	v16 =	vand.u32 $0x1, v12  }
.Ltmp4:
0x9b: {  	v12 =	vadd.s32 v2, v14;
	v8 =	vadd.s32 v11, v8;
	v10 =	vadd.s32 v16, v10;
	(pc) =	sbr.rel @p0 .LBB2_11-.Ltmp4, $4  }
0x9c: {  	v14 =	vshrl.u32 v6, $0x10;
	v11 =	vadd.s32 $0x7FFF, v8;
	v10 =	vadd.s32 $0x7FFF, v10  }
0x9d: {  	v11 =	vand.u32 $0xFFFF0000, v11;
	v16 =	vand.u32 $0xFFFF0000, v10;
	v8 =	vld.idx.msk [tilespmem:v13+s4+$0x0], $0xffff;
	v13 =	vshrl.u32 v17, $0x10  }
0x9e: {  	v14 =	vand.u32 $0x1, v14;
	v10 =	vld.idx.msk [tilespmem:v15+s3+$0x0], $0xffff;
	v19 =	vand.u32 $0x1, v13;
	v13 =	vmul.f32 v16, v11  }
0x9f: {  	s6 =	sadd.s32 $0x1, s6;
	v15 =	vmov s5;
	v16 =	vadd.s32 v14, v6;
	v6 =	vld.idx.msk [tilespmem:v18+s3+$0x0], $0xffff;
	v14 =	vadd.s32 v19, v17  }
0xa0: {  	v15 =	vmul.u32 $0x30, v15  }
0xa1: {  	v16 =	vadd.s32 $0x7FFF, v16;
	v5 =	vadd.f32 v13, v5;
	v14 =	vadd.s32 $0x7FFF, v14  }
0xa2: {  	v3 =	vadd.f32 v7, v3;
	s5 =	sadd.s32 $0x10, s5;
	v4 =	vadd.f32 v4, v9;
	v48 =	vbroadcast v15, $0x0  }
0xa3: {  	v47 =	vand.u32 $0xFFFF0000, v16;
	v14 =	vand.u32 $0xFFFF0000, v14;
	v49 =	vmov s5  }
0xa4: {  	v12 =	vld.idx.msk [tilespmem:v12+s3+$0x0], $0xffff;
	v13 =	vmul.f32 v47, v11;
	v50 =	vmul.f32 v14, v11;
	v1 =	vadd.s32 v1, v48  }
0xa5: {  	v51 =	vshrl.u32 v8, $0x10;
	v52 =	vshrl.u32 v10, $0x10;
	v0 =	vor.u32 v0, v48  }
0xa6: {  	v14 =	vand.u32 $0x1, v51;
	v16 =	vand.u32 $0x1, v52;
	v2 =	vadd.s32 v2, v48  }
0xa7: {  	v53 =	vadd.s32 v14, v8;
	v55 =	vshrl.u32 v6, $0x10;
	v3 =	vadd.f32 v13, v3  }
0xa8: {  	v4 =	vadd.f32 v50, v4;
	v54 =	vadd.s32 v16, v10;
	v9 =	vand.u32 $0x1, v55;
	v56 =	vld.idx.msk [tilespmem:v49+s4+$0x0], $0xffff  }
0xa9: {  	v7 =	vadd.s32 $0x7FFF, v53;
	v57 =	vshrl.u32 v12, $0x10;
	v58 =	vadd.s32 v9, v6;
	v1 =	vld.idx.msk [tilespmem:v1+s3+$0x0], $0xffff  }
0xaa: {  	v8 =	vadd.s32 $0x7FFF, v54;
	v14 =	vand.u32 $0x1, v57;
	v6 =	vadd.s32 $0x7FFF, v58;
	v0 =	vld.idx.msk [tilespmem:v0+s3+$0x0], $0xffff  }
0xab: {  	v7 =	vand.u32 $0xFFFF0000, v7;
	v59 =	vadd.s32 v14, v12;
	v6 =	vand.u32 $0xFFFF0000, v6;
	v2 =	vld.idx.msk [tilespmem:v2+s3+$0x0], $0xffff  }
0xac: {  	v8 =	vand.u32 $0xFFFF0000, v8;
	v9 =	vadd.s32 $0x7FFF, v59;
	v6 =	vmul.f32 v6, v7  }
0xad: {  	v8 =	vmul.f32 v8, v7;
	v9 =	vand.u32 $0xFFFF0000, v9;
	v60 =	vshrl.u32 v56, $0x10  }
0xae: {  	v7 =	vmul.f32 v9, v7;
	v3 =	vadd.f32 v6, v3;
	v9 =	vand.u32 $0x1, v60  }
0xaf: {  	v9 =	vadd.s32 v9, v56;
	v61 =	vshrl.u32 v1, $0x10;
	v62 =	vshrl.u32 v0, $0x10  }
0xb0: {  	v63 =	vshrl.u32 v2, $0x10;
	v9 =	vadd.s32 $0x7FFF, v9;
	v10 =	vand.u32 $0x1, v62  }
0xb1: {  	v11 =	vand.u32 $0x1, v61;
	v9 =	vand.u32 $0xFFFF0000, v9;
	v0 =	vadd.s32 v10, v0  }
0xb2: {  	v1 =	vadd.s32 v11, v1;
	v11 =	vand.u32 $0x1, v63;
	v0 =	vadd.s32 $0x7FFF, v0  }
0xb3: {  	v1 =	vadd.s32 $0x7FFF, v1;
	v2 =	vadd.s32 v11, v2;
	v0 =	vand.u32 $0xFFFF0000, v0  }
0xb4: {  	v2 =	vadd.s32 $0x7FFF, v2;
	v1 =	vand.u32 $0xFFFF0000, v1;
	v0 =	vmul.f32 v0, v9  }
0xb5: {  	v5 =	vadd.f32 v8, v5;
	v2 =	vand.u32 $0xFFFF0000, v2;
	v1 =	vmul.f32 v1, v9  }
0xb6: {  	v4 =	vadd.f32 v7, v4;
	v2 =	vmul.f32 v2, v9;
	v0 =	vadd.f32 v0, v3  }
0xb7: {  	v1 =	vadd.f32 v1, v5  }
0xb8: {  	v2 =	vadd.f32 v2, v4;
	[tilespmem:$0x1EA8] =	vst v0  }
0xb9: {  	s29 =	simm.s32 $0x0;
	[tilespmem:$0x1EC8] =	vst v1  }
.Ltmp5:
0xba: {  	s30 =	simm.s32 $0x1EA8;
	s31 =	simm.s32 $0x2;
	[tilespmem:$0x1EB8] =	vst v2;
	(pc) =	sbr.rel .LBB2_18-.Ltmp5, $4  }
0xbb: {  	[hbm4b:s2+s29] =	stream.linear.scatter [tilespmem:s30], [sflag:$0x2], $0x30, $0x38;
	[tilespmem:$0x1EE8] =	vst v63  }
0xbc: {  	_ =	swait.ge [sflag:s31], $0x30  }
0xbd: {  	[sflag:s31] =	ssyncset.done $0x0  }
0xbe: {  	[sflag:s31] =	ssyncadd.s32 $0xFFFFFFD0  }
.LBB2_13:
0xbf: {  	v1 =	vimm.s32 $0x1EA  }
0xc0: {  	v3 =	vmov s4;
	s28 =	simm.s32 $0x20;
	v1 =	vsel vm0, $0x1E0, v1  }
0xc1: {  	s3 =	sadd.s32 $0x12800, s3;
	v5 =	vadd.s32 s28, v1  }
0xc2: {  	s5 =	simm.s32 $0x38;
	s6 =	simm.s32 $0x218;
	s7 =	simm.s32 $0x1B28;
	v4 =	vmul.u32 $0xA, v0  }
0xc3: {  	[tilespmem:s7], [sflag:$0x1] =	stream.indirect.gather [hbm4b:s3+s5], $0x10, s6, s5, $0xb8;
	[tilespmem:$0x1EE8] =	vst v63  }
0xc4: {  	s3 =	simm.s32 $0x0;
	v2 =	vadd.s32 $0xA0, v4  }
0xc5: {  	v8 =	vadd.s32 s28, v2;
	v7 =	vld.idx.msk [tilespmem:v3+s3+$0x0], $0xffff  }
0xc6: {  	v6 =	vadd.s32 s28, v4;
	v3 =	vadd.s32 $0x140, v4;
	v5 =	vld.idx.msk [tilespmem:v5+s3+$0x0], $0xffff  }
0xc7: {  	v9 =	vadd.s32 s28, v3  }
0xc8: {  	s30 =	simm.s32 $0x21  }
0xc9: {  	v14 =	vadd.s32 s30, v1  }
0xca: {  	v10 =	vld.idx.msk [tilespmem:v8+s3+$0x0], $0xffff  }
0xcb: {  	v0 =	vimm.f32 $0.0e+00;
	s29 =	simm.s32 $0x12;
	v6 =	vld.idx.msk [tilespmem:v6+s3+$0x0], $0xffff;
	v8 =	vshrl.u32 v7, $0x10;
	v11 =	vshrl.u32 v5, $0x10  }
0xcc: {  	v12 =	vmov s29;
	v9 =	vld.idx.msk [tilespmem:v9+s3+$0x0], $0xffff;
	v8 =	vand.u32 $0x1, v8;
	v11 =	vand.u32 $0x1, v11  }
0xcd: {  	v15 =	vadd.s32 s30, v2;
	v7 =	vadd.s32 v8, v7;
	v5 =	vadd.s32 v11, v5  }
0xce: {  	v17 =	vadd.s32 s30, v3;
	v14 =	vld.idx.msk [tilespmem:v14+s3+$0x0], $0xffff;
	v7 =	vadd.s32 $0x7FFF, v7;
	v5 =	vadd.s32 $0x7FFF, v5  }
0xcf: {  	v8 =	vshrl.u32 v10, $0x10;
	v16 =	vand.u32 $0xFFFF0000, v7;
	v5 =	vand.u32 $0xFFFF0000, v5  }
0xd0: {  	v11 =	vadd.s32 s30, v4;
	v7 =	vshrl.u32 v6, $0x10;
	v5 =	vmul.f32 v5, v16  }
0xd1: {  	v13 =	vld.idx.msk [tilespmem:v12+s3+$0x0], $0xffff;
	v18 =	vand.u32 $0x1, v8;
	v7 =	vand.u32 $0x1, v7;
	v12 =	vshrl.u32 v9, $0x10  }
0xd2: {  	v12 =	vand.u32 $0x1, v12;
	v8 =	vadd.f32 v5, v0;
	v5 =	vadd.s32 v7, v6  }
0xd3: {  	v6 =	vadd.s32 v18, v10;
	v7 =	vadd.s32 v12, v9;
	v18 =	vshrl.u32 v14, $0x10  }
0xd4: {  	v5 =	vadd.s32 $0x7FFF, v5;
	v6 =	vadd.s32 $0x7FFF, v6;
	v7 =	vadd.s32 $0x7FFF, v7  }
0xd5: {  	v5 =	vand.u32 $0xFFFF0000, v5;
	v6 =	vand.u32 $0xFFFF0000, v6;
	v9 =	vand.u32 $0xFFFF0000, v7  }
0xd6: {  	s31 =	simm.s32 $0x13;
	v10 =	vld.idx.msk [tilespmem:v11+s3+$0x0], $0xffff;
	v12 =	vmul.f32 v5, v16;
	v5 =	vmul.f32 v9, v16;
	v9 =	vshrl.u32 v13, $0x10  }
0xd7: {  	v11 =	vld.idx.msk [tilespmem:v15+s3+$0x0], $0xffff;
	v15 =	vmov s31;
	v7 =	vmul.f32 v6, v16;
	v16 =	vand.u32 $0x1, v9  }
0xd8: {  	s2 =	sadd.s32 $0xE, s2;
	s4 =	simm.s32 $0x14;
	s5 =	simm.s32 $0x22;
	v9 =	vimm.f32 $0.0e+00;
	v6 =	vadd.f32 v12, v0;
	v12 =	vld.idx.msk [tilespmem:v17+s3+$0x0], $0xffff;
	v17 =	vand.u32 $0x1, v18  }
.LBB2_14:
0xd9: {  	p0 =	sne.s32 s4, $0x1A;
	v18 =	vadd.s32 s5, v1;
	v13 =	vadd.s32 v16, v13;
	v14 =	vadd.s32 v17, v14  }
0xda: {  	v16 =	vadd.s32 s5, v4;
	v13 =	vadd.s32 $0x7FFF, v13;
	v14 =	vadd.s32 $0x7FFF, v14  }
0xdb: {  	v17 =	vadd.s32 s5, v2;
	v19 =	vand.u32 $0xFFFF0000, v13;
	v13 =	vand.u32 $0xFFFF0000, v14  }
0xdc: {  	v20 =	vadd.s32 s5, v3;
	v14 =	vshrl.u32 v10, $0x10;
	v21 =	vmul.f32 v13, v19  }
0xdd: {  	v22 =	vshrl.u32 v11, $0x10;
	v23 =	vshrl.u32 v12, $0x10;
	v13 =	vld.idx.msk [tilespmem:v15+s3+$0x0], $0xffff;
	v15 =	vand.u32 $0x1, v14  }
0xde: {  	v14 =	vld.idx.msk [tilespmem:v18+s3+$0x0], $0xffff;
	v18 =	vand.u32 $0x1, v22;
	v22 =	vand.u32 $0x1, v23;
	v8 =	vadd.f32 v21, v8  }
0xdf: {  	v15 =	vadd.s32 v15, v10;
	v10 =	vld.idx.msk [tilespmem:v16+s3+$0x0], $0xffff;
	v16 =	vadd.s32 v18, v11;
	v12 =	vadd.s32 v22, v12  }
0xe0: {  	v15 =	vadd.s32 $0x7FFF, v15;
	v11 =	vld.idx.msk [tilespmem:v17+s3+$0x0], $0xffff;
	v16 =	vadd.s32 $0x7FFF, v16;
	v17 =	vadd.s32 $0x7FFF, v12  }
.Ltmp6:
0xe1: {  	v15 =	vand.u32 $0xFFFF0000, v15;
	v12 =	vld.idx.msk [tilespmem:v20+s3+$0x0], $0xffff;
	v16 =	vand.u32 $0xFFFF0000, v16;
	v17 =	vand.u32 $0xFFFF0000, v17;
	(pc) =	sbr.rel @p0 .LBB2_14-.Ltmp6, $4  }
0xe2: {  	v0 =	vadd.f32 v7, v0;
	v15 =	vmul.f32 v15, v19;
	v7 =	vmul.f32 v16, v19  }
0xe3: {  	v9 =	vadd.f32 v5, v9;
	v5 =	vmul.f32 v17, v19  }
0xe4: {  	v16 =	vshrl.u32 v13, $0x10;
	v17 =	vshrl.u32 v14, $0x10;
	v6 =	vadd.f32 v15, v6  }
0xe5: {  	s5 =	sadd.s32 $0xF, s4;
	v15 =	vmov s4;
	s4 =	sadd.s32 $0x1, s4;
	v16 =	vand.u32 $0x1, v16;
	v17 =	vand.u32 $0x1, v17  }
0xe6: {  	v1 =	vadd.s32 s5, v1  }
0xe7: {  	v13 =	vadd.s32 v16, v13;
	v14 =	vadd.s32 v17, v14;
	v4 =	vadd.s32 s5, v4  }
0xe8: {  	v2 =	vadd.s32 s5, v2;
	v3 =	vadd.s32 s5, v3;
	v53 =	vshrl.u32 v10, $0x10  }
0xe9: {  	v54 =	vshrl.u32 v11, $0x10;
	v18 =	vshrl.u32 v12, $0x10;
	v0 =	vadd.f32 v7, v0  }
0xea: {  	v15 =	vld.idx.msk [tilespmem:v15+s3+$0x0], $0xffff;
	v5 =	vadd.f32 v5, v9;
	v13 =	vadd.s32 $0x7FFF, v13;
	v14 =	vadd.s32 $0x7FFF, v14  }
0xeb: {  	v16 =	vand.u32 $0x1, v53;
	v17 =	vand.u32 $0x1, v54;
	v18 =	vand.u32 $0x1, v18  }
0xec: {  	v13 =	vand.u32 $0xFFFF0000, v13;
	v14 =	vand.u32 $0xFFFF0000, v14;
	v55 =	vadd.s32 v16, v10;
	v1 =	vld.idx.msk [tilespmem:v1+s3+$0x0], $0xffff  }
0xed: {  	v56 =	vadd.s32 v17, v11;
	v57 =	vadd.s32 v18, v12;
	v14 =	vmul.f32 v14, v13;
	v4 =	vld.idx.msk [tilespmem:v4+s3+$0x0], $0xffff  }
0xee: {  	v10 =	vadd.s32 $0x7FFF, v55;
	v11 =	vadd.s32 $0x7FFF, v56;
	v12 =	vadd.s32 $0x7FFF, v57;
	v2 =	vld.idx.msk [tilespmem:v2+s3+$0x0], $0xffff  }
0xef: {  	v10 =	vand.u32 $0xFFFF0000, v10;
	v11 =	vand.u32 $0xFFFF0000, v11;
	v3 =	vld.idx.msk [tilespmem:v3+s3+$0x0], $0xffff;
	v58 =	vshrl.u32 v15, $0x10  }
0xf0: {  	v12 =	vand.u32 $0xFFFF0000, v12;
	v10 =	vmul.f32 v10, v13;
	v7 =	vand.u32 $0x1, v58  }
0xf1: {  	v8 =	vadd.f32 v14, v8;
	v11 =	vmul.f32 v11, v13;
	v7 =	vadd.s32 v7, v15  }
0xf2: {  	v12 =	vmul.f32 v12, v13;
	v6 =	vadd.f32 v10, v6;
	v7 =	vadd.s32 $0x7FFF, v7  }
0xf3: {  	v0 =	vadd.f32 v11, v0;
	v7 =	vand.u32 $0xFFFF0000, v7;
	v59 =	vshrl.u32 v1, $0x10  }
0xf4: {  	v61 =	vshrl.u32 v4, $0x10;
	v62 =	vshrl.u32 v2, $0x10;
	v63 =	vshrl.u32 v3, $0x10  }
0xf5: {  	v60 =	vand.u32 $0x1, v59;
	v9 =	vand.u32 $0x1, v61;
	v10 =	vand.u32 $0x1, v62  }
0xf6: {  	v13 =	vand.u32 $0x1, v63;
	v1 =	vadd.s32 v60, v1;
	v4 =	vadd.s32 v9, v4  }
0xf7: {  	v2 =	vadd.s32 v10, v2;
	v3 =	vadd.s32 v13, v3;
	v1 =	vadd.s32 $0x7FFF, v1  }
0xf8: {  	v4 =	vadd.s32 $0x7FFF, v4;
	v2 =	vadd.s32 $0x7FFF, v2;
	v3 =	vadd.s32 $0x7FFF, v3  }
0xf9: {  	v1 =	vand.u32 $0xFFFF0000, v1;
	v4 =	vand.u32 $0xFFFF0000, v4;
	v2 =	vand.u32 $0xFFFF0000, v2  }
0xfa: {  	v3 =	vand.u32 $0xFFFF0000, v3;
	v4 =	vmul.f32 v4, v7;
	v2 =	vmul.f32 v2, v7  }
0xfb: {  	v5 =	vadd.f32 v12, v5;
	v1 =	vmul.f32 v1, v7;
	v3 =	vmul.f32 v3, v7  }
0xfc: {  	v4 =	vadd.f32 v4, v6;
	v0 =	vadd.f32 v2, v0  }
0xfd: {  	v1 =	vadd.f32 v1, v8;
	v2 =	vadd.f32 v3, v5  }
0xfe: {  	v3 =	vmul.f32 $3.162277640e-01, v4;
	v0 =	vmul.f32 $3.162277640e-01, v0  }
0xff: {  	v2 =	vmul.f32 $3.162277640e-01, v2;
	v1 =	vmul.f32 $3.162277640e-01, v1;
	_ =	sdelay $0x1  }
0x100: {  	v4 =	vmax.f32 v3, v0;
	v5 =	vmax.f32 v2, v1  }
0x101: {  	v4 =	vmax.f32 v4, v5  }
0x102: {  	(xrf0) =	vmax.scan.msk.f32 $0xffff, v4;
	_ =	sdelay $0x5  }
0x103: {  	v4, _, _ =	vpop (xrf0)  }
0x104: {  	v4 =	vbroadcast v4, $0xF;
	_ =	sdelay $0x1  }
0x105: {  	v3 =	vsub.f32 v3, v4  }
0x106: {  	v0 =	vsub.f32 v0, v4  }
0x107: {  	v3 =	vmul.f32 $1.442695020e+00, v3  }
0x108: {  	v2 =	vsub.f32 v2, v4;
	v0 =	vmul.f32 $1.442695020e+00, v0  }
0x109: {  	v1 =	vsub.f32 v1, v4;
	(erf) = vpow2.f32 v3  }
0x10a: {  	(erf) = vpow2.f32 v0;
	v0 =	vmul.f32 $1.442695020e+00, v2  }
0x10b: {  	v1 =	vmul.f32 $1.442695020e+00, v1  }
0x10c: {  	(erf) = vpow2.f32 v0  }
0x10d: {  	(erf) = vpow2.f32 v1;
	_ =	sdelay $0x4  }
0x10e: {  	v0 =	vpop (erf)  }
0x10f: {  	v1 =	vpop (erf)  }
0x110: {  	v2 =	vadd.f32 v1, v0  }
0x111: {  	v3 =	vpop (erf)  }
0x112: {  	vm0 =	vmmov $0x3;
	v4 =	vpop (erf);
	v2 =	vadd.f32 v2, v3  }
0x113: {  	v4 =	vnsel vm0, $0x0, v4  }
0x114: {  	v2 =	vadd.f32 v2, v4;
	_ =	sdelay $0x1  }
0x115: {  	(xrf2) =	vadd.scan.msk.f32 $0xffff, v2;
	_ =	sdelay $0x9  }
0x116: {  	v2, _, _ =	vpop (xrf2)  }
0x117: {  	v2 =	vbroadcast v2, $0xF;
	_ =	sdelay $0x1  }
0x118: {  	(erf) = vrcp.f32 v2;
	_ =	sdelay $0x8  }
0x119: {  	v2 =	vpop (erf)  }
0x11a: {  	v0 =	vmul.f32 v2, v0  }
0x11b: {  	v1 =	vmul.f32 v2, v1  }
0x11c: {  	v3 =	vmul.f32 v2, v3;
	[tilespmem:$0x268] =	vst v0  }
0x11d: {  	s25 =	simm.s32 $0x10;
	v2 =	vmul.f32 v2, v4;
	[tilespmem:$0x278] =	vst v1  }
0x11e: {  	s26 =	simm.s32 $0x0;
	[tilespmem:$0x288] =	vst v3;
	v0 =	vlaneseq.u32;
	v1 =	vmov s25  }
0x11f: {  	s4 =	simm.s32 $0x1;
	[tilespmem:$0x298] =	vst v2;
	v2 =	vor.u32 s26, v0  }
0x120: {  	_ =	swait.ge [sflag:s4], $0x380  }
0x121: {  	[sflag:s4] =	ssyncset.done $0x0  }
0x122: {  	s3 =	simm.s32 $0x258;
	[sflag:s4] =	ssyncadd.s32 $0xFFFFFC80  }
0x123: {  	s4 =	simm.s32 $0x1B28;
	v3 =	vld.idx.msk [tilespmem:v1+s3+$0x0], $0xffff  }
0x124: {  	s28 =	simm.s32 $0x11;
	v5 =	vld.idx.msk [tilespmem:v2+s4+$0x0], $0xffff  }
0x125: {  	s29 =	simm.s32 $0x10;
	v2 =	vmov s28  }
0x126: {  	v6 =	vor.u32 s29, v0;
	_ =	sdelay $0x2  }
0x127: {  	s30 =	simm.s32 $0x12;
	v4 =	vshrl.u32 v3, $0x10;
	v7 =	vshrl.u32 v5, $0x10  }
0x128: {  	s31 =	simm.s32 $0x20;
	v8 =	vand.u32 $0x1, v4;
	v4 =	vmov s30;
	v2 =	vld.idx.msk [tilespmem:v2+s3+$0x0], $0xffff;
	v7 =	vand.u32 $0x1, v7  }
0x129: {  	v8 =	vadd.s32 v8, v3;
	v3 =	vld.idx.msk [tilespmem:v6+s4+$0x0], $0xffff;
	v7 =	vadd.s32 v7, v5;
	v5 =	vor.u32 s31, v0;
	_ =	sdelay $0x1  }
0x12a: {  	s5 =	simm.s32 $0x3;
	v1 =	vimm.f32 $0.0e+00;
	v6 =	vadd.s32 $0x7FFF, v8;
	v7 =	vadd.s32 $0x7FFF, v7  }
.LBB2_16:
0x12b: {  	s6 =	sadd.s32 $0x10, s5;
	v6 =	vand.u32 $0xFFFF0000, v6;
	v8 =	vand.u32 $0xFFFF0000, v7;
	p0 =	sne.s32 s5, $0x31  }
.Ltmp7:
0x12c: {  	s7 =	sshll.u32 s5, $0x4;
	v7 =	vmov v2;
	v6 =	vmul.f32 v8, v6;
	v2 =	vld.idx.msk [tilespmem:v4+s3+$0x0], $0xffff;
	v4 =	vmov s6;
	(pc) =	sbr.rel @p0 .LBB2_16-.Ltmp7, $4  }
0x12d: {  	s5 =	sadd.s32 $0x1, s5;
	v8 =	vshrl.u32 v7, $0x10;
	v9 =	vshrl.u32 v3, $0x10;
	v10 =	vmovc v3;
	v3 =	vld.idx.msk [tilespmem:v5+s4+$0x0], $0xffff;
	v5 =	vor.u32 s7, v0  }
0x12e: {  	v8 =	vand.u32 $0x1, v8;
	v9 =	vand.u32 $0x1, v9;
	v1 =	vadd.f32 v6, v1  }
0x12f: {  	v6 =	vadd.s32 v8, v7;
	v7 =	vadd.s32 v9, v10  }
0x130: {  	v6 =	vadd.s32 $0x7FFF, v6;
	v7 =	vadd.s32 $0x7FFF, v7  }
0x131: {  	_ =	sdelay $0x3  }
0x132: {  	v0 =	vld.idx.msk [tilespmem:v4+s3+$0x0], $0xffff  }
0x133: {  	v54 =	vld.idx.msk [tilespmem:v5+s4+$0x0], $0xffff  }
0x134: {  	v55 =	vand.u32 $0xFFFF0000, v6;
	v56 =	vand.u32 $0xFFFF0000, v7;
	v57 =	vshrl.u32 v2, $0x10  }
0x135: {  	v5 =	vmul.f32 v56, v55;
	v58 =	vshrl.u32 v3, $0x10;
	v7 =	vand.u32 $0x1, v57  }
0x136: {  	v6 =	vand.u32 $0x1, v58;
	v59 =	vadd.s32 v7, v2  }
0x137: {  	v1 =	vadd.f32 v5, v1;
	v60 =	vadd.s32 v6, v3;
	v2 =	vadd.s32 $0x7FFF, v59  }
0x138: {  	v3 =	vadd.s32 $0x7FFF, v60;
	v61 =	vshrl.u32 v0, $0x10;
	v62 =	vshrl.u32 v54, $0x10  }
0x139: {  	v2 =	vand.u32 $0xFFFF0000, v2;
	v5 =	vand.u32 $0x1, v61;
	v6 =	vand.u32 $0x1, v62  }
0x13a: {  	v3 =	vand.u32 $0xFFFF0000, v3;
	v0 =	vadd.s32 v5, v0;
	v4 =	vadd.s32 v6, v54  }
0x13b: {  	v2 =	vmul.f32 v3, v2;
	v0 =	vadd.s32 $0x7FFF, v0;
	v63 =	vadd.s32 $0x7FFF, v4  }
0x13c: {  	v0 =	vand.u32 $0xFFFF0000, v0;
	v3 =	vand.u32 $0xFFFF0000, v63  }
0x13d: {  	v1 =	vadd.f32 v2, v1;
	v0 =	vmul.f32 v3, v0;
	_ =	sdelay $0x1  }
0x13e: {  	v0 =	vadd.f32 v0, v1  }
0x13f: {  	s29 =	simm.s32 $0x0  }
.Ltmp8:
0x140: {  	s30 =	simm.s32 $0x1EA8;
	s31 =	simm.s32 $0x2;
	[tilespmem:$0x1EA8] =	vst v0;
	(pc) =	sbr.rel .LBB2_18-.Ltmp8, $4  }
0x141: {  	[hbm4b:s2+s29] =	stream.linear.scatter [tilespmem:s30], [sflag:$0x2], $0x10, $0x38;
	[tilespmem:$0x1EE8] =	vst v63  }
0x142: {  	_ =	swait.ge [sflag:s31], $0x10  }
0x143: {  	[sflag:s31] =	ssyncset.done $0x0  }
0x144: {  	[sflag:s31] =	ssyncadd.s32 $0xFFFFFFF0  }
.LBB2_3:
0x145: {  	s3 =	sadd.s32 $0x1200, s3;
	v5 =	vadd.s32 s4, v1  }
0x146: {  	s5 =	simm.s32 $0x38;
	s6 =	simm.s32 $0x218;
	s7 =	simm.s32 $0x2A8;
	v2 =	vlaneseq.u32  }
0x147: {  	[tilespmem:s7], [sflag:$0x1] =	stream.indirect.gather [hbm4b:s3+s5], $0x40, s6, s5, $0xb8;
	v4 =	vmul.u32 $0xA, v2;
	[tilespmem:$0x1EE8] =	vst v63  }
0x148: {  	s3 =	simm.s32 $0x0  }
0x149: {  	v7 =	vld.idx.msk [tilespmem:v0+s3+$0x0], $0xffff;
	v2 =	vadd.s32 $0xA0, v4;
	v6 =	vadd.s32 s4, v4  }
0x14a: {  	v3 =	vadd.s32 $0x140, v4;
	v8 =	vadd.s32 s4, v2;
	v5 =	vld.idx.msk [tilespmem:v5+s3+$0x0], $0xffff  }
0x14b: {  	v9 =	vadd.s32 s4, v3  }
0x14c: {  	s30 =	simm.s32 $0x21  }
0x14d: {  	v14 =	vadd.s32 s30, v1  }
0x14e: {  	s29 =	simm.s32 $0x12;
	v6 =	vld.idx.msk [tilespmem:v6+s3+$0x0], $0xffff  }
0x14f: {  	v12 =	vmov s29;
	v10 =	vld.idx.msk [tilespmem:v8+s3+$0x0], $0xffff;
	v8 =	vshrl.u32 v7, $0x10;
	v11 =	vshrl.u32 v5, $0x10  }
0x150: {  	v0 =	vimm.f32 $0.0e+00;
	v9 =	vld.idx.msk [tilespmem:v9+s3+$0x0], $0xffff;
	v8 =	vand.u32 $0x1, v8;
	v11 =	vand.u32 $0x1, v11  }
0x151: {  	v15 =	vadd.s32 s30, v2;
	v7 =	vadd.s32 v8, v7;
	v5 =	vadd.s32 v11, v5  }
0x152: {  	v17 =	vadd.s32 s30, v3;
	v14 =	vld.idx.msk [tilespmem:v14+s3+$0x0], $0xffff;
	v7 =	vadd.s32 $0x7FFF, v7;
	v5 =	vadd.s32 $0x7FFF, v5  }
0x153: {  	v11 =	vadd.s32 s30, v4;
	v16 =	vand.u32 $0xFFFF0000, v7;
	v5 =	vand.u32 $0xFFFF0000, v5  }
0x154: {  	v7 =	vshrl.u32 v6, $0x10;
	v8 =	vshrl.u32 v10, $0x10;
	v5 =	vmul.f32 v5, v16  }
0x155: {  	v13 =	vld.idx.msk [tilespmem:v12+s3+$0x0], $0xffff;
	v7 =	vand.u32 $0x1, v7;
	v12 =	vshrl.u32 v9, $0x10;
	v18 =	vand.u32 $0x1, v8  }
0x156: {  	v12 =	vand.u32 $0x1, v12;
	v8 =	vadd.f32 v5, v0;
	v5 =	vadd.s32 v7, v6  }
0x157: {  	v6 =	vadd.s32 v18, v10;
	v7 =	vadd.s32 v12, v9;
	v18 =	vshrl.u32 v14, $0x10  }
0x158: {  	v5 =	vadd.s32 $0x7FFF, v5;
	v6 =	vadd.s32 $0x7FFF, v6;
	v7 =	vadd.s32 $0x7FFF, v7  }
0x159: {  	v5 =	vand.u32 $0xFFFF0000, v5;
	v6 =	vand.u32 $0xFFFF0000, v6;
	v9 =	vand.u32 $0xFFFF0000, v7  }
0x15a: {  	s31 =	simm.s32 $0x13;
	v10 =	vld.idx.msk [tilespmem:v11+s3+$0x0], $0xffff;
	v12 =	vmul.f32 v5, v16;
	v5 =	vmul.f32 v9, v16;
	v9 =	vshrl.u32 v13, $0x10  }
0x15b: {  	v11 =	vld.idx.msk [tilespmem:v15+s3+$0x0], $0xffff;
	v15 =	vmov s31;
	v7 =	vmul.f32 v6, v16;
	v16 =	vand.u32 $0x1, v9  }
0x15c: {  	s5 =	simm.s32 $0x22;
	s4 =	simm.s32 $0x14;
	v9 =	vimm.f32 $0.0e+00;
	v6 =	vadd.f32 v12, v0;
	v12 =	vld.idx.msk [tilespmem:v17+s3+$0x0], $0xffff;
	v17 =	vand.u32 $0x1, v18  }
.LBB2_4:
0x15d: {  	p0 =	sne.s32 s4, $0x1A;
	v18 =	vadd.s32 s5, v1;
	v13 =	vadd.s32 v16, v13;
	v14 =	vadd.s32 v17, v14  }
0x15e: {  	v16 =	vadd.s32 s5, v4;
	v13 =	vadd.s32 $0x7FFF, v13;
	v14 =	vadd.s32 $0x7FFF, v14  }
0x15f: {  	v17 =	vadd.s32 s5, v2;
	v19 =	vand.u32 $0xFFFF0000, v13;
	v13 =	vand.u32 $0xFFFF0000, v14  }
0x160: {  	v20 =	vadd.s32 s5, v3;
	v14 =	vshrl.u32 v10, $0x10;
	v21 =	vmul.f32 v13, v19  }
0x161: {  	v22 =	vshrl.u32 v11, $0x10;
	v23 =	vshrl.u32 v12, $0x10;
	v13 =	vld.idx.msk [tilespmem:v15+s3+$0x0], $0xffff;
	v15 =	vand.u32 $0x1, v14  }
0x162: {  	v14 =	vld.idx.msk [tilespmem:v18+s3+$0x0], $0xffff;
	v18 =	vand.u32 $0x1, v22;
	v22 =	vand.u32 $0x1, v23;
	v8 =	vadd.f32 v21, v8  }
0x163: {  	v15 =	vadd.s32 v15, v10;
	v10 =	vld.idx.msk [tilespmem:v16+s3+$0x0], $0xffff;
	v16 =	vadd.s32 v18, v11;
	v12 =	vadd.s32 v22, v12  }
0x164: {  	v15 =	vadd.s32 $0x7FFF, v15;
	v11 =	vld.idx.msk [tilespmem:v17+s3+$0x0], $0xffff;
	v16 =	vadd.s32 $0x7FFF, v16;
	v17 =	vadd.s32 $0x7FFF, v12  }
.Ltmp9:
0x165: {  	v15 =	vand.u32 $0xFFFF0000, v15;
	v12 =	vld.idx.msk [tilespmem:v20+s3+$0x0], $0xffff;
	v16 =	vand.u32 $0xFFFF0000, v16;
	v17 =	vand.u32 $0xFFFF0000, v17;
	(pc) =	sbr.rel @p0 .LBB2_4-.Ltmp9, $4  }
0x166: {  	v0 =	vadd.f32 v7, v0;
	v15 =	vmul.f32 v15, v19;
	v7 =	vmul.f32 v16, v19  }
0x167: {  	v9 =	vadd.f32 v5, v9;
	v5 =	vmul.f32 v17, v19  }
0x168: {  	v16 =	vshrl.u32 v13, $0x10;
	v17 =	vshrl.u32 v14, $0x10;
	v6 =	vadd.f32 v15, v6  }
0x169: {  	s5 =	sadd.s32 $0xF, s4;
	v15 =	vmov s4;
	s4 =	sadd.s32 $0x1, s4;
	v16 =	vand.u32 $0x1, v16;
	v17 =	vand.u32 $0x1, v17  }
0x16a: {  	v1 =	vadd.s32 s5, v1  }
0x16b: {  	v13 =	vadd.s32 v16, v13;
	v14 =	vadd.s32 v17, v14;
	v4 =	vadd.s32 s5, v4  }
0x16c: {  	v2 =	vadd.s32 s5, v2;
	v3 =	vadd.s32 s5, v3;
	v16 =	vshrl.u32 v10, $0x10  }
0x16d: {  	v17 =	vshrl.u32 v11, $0x10;
	v18 =	vshrl.u32 v12, $0x10;
	v0 =	vadd.f32 v7, v0  }
0x16e: {  	v15 =	vld.idx.msk [tilespmem:v15+s3+$0x0], $0xffff;
	v5 =	vadd.f32 v5, v9;
	v13 =	vadd.s32 $0x7FFF, v13;
	v14 =	vadd.s32 $0x7FFF, v14  }
0x16f: {  	v16 =	vand.u32 $0x1, v16;
	v17 =	vand.u32 $0x1, v17;
	v18 =	vand.u32 $0x1, v18  }
0x170: {  	v13 =	vand.u32 $0xFFFF0000, v13;
	v14 =	vand.u32 $0xFFFF0000, v14;
	v10 =	vadd.s32 v16, v10;
	v1 =	vld.idx.msk [tilespmem:v1+s3+$0x0], $0xffff  }
0x171: {  	v11 =	vadd.s32 v17, v11;
	v12 =	vadd.s32 v18, v12;
	v14 =	vmul.f32 v14, v13;
	v4 =	vld.idx.msk [tilespmem:v4+s3+$0x0], $0xffff  }
0x172: {  	v10 =	vadd.s32 $0x7FFF, v10;
	v11 =	vadd.s32 $0x7FFF, v11;
	v12 =	vadd.s32 $0x7FFF, v12;
	v2 =	vld.idx.msk [tilespmem:v2+s3+$0x0], $0xffff  }
0x173: {  	v10 =	vand.u32 $0xFFFF0000, v10;
	v8 =	vadd.f32 v14, v8;
	v3 =	vld.idx.msk [tilespmem:v3+s3+$0x0], $0xffff;
	v14 =	vshrl.u32 v15, $0x10  }
0x174: {  	v11 =	vand.u32 $0xFFFF0000, v11;
	v10 =	vmul.f32 v10, v13;
	v7 =	vand.u32 $0x1, v14  }
0x175: {  	v12 =	vand.u32 $0xFFFF0000, v12;
	v11 =	vmul.f32 v11, v13;
	v7 =	vadd.s32 v7, v15  }
0x176: {  	v12 =	vmul.f32 v12, v13;
	v6 =	vadd.f32 v10, v6;
	v7 =	vadd.s32 $0x7FFF, v7  }
0x177: {  	v0 =	vadd.f32 v11, v0;
	v7 =	vand.u32 $0xFFFF0000, v7;
	v16 =	vshrl.u32 v1, $0x10  }
0x178: {  	v9 =	vshrl.u32 v4, $0x10;
	v10 =	vshrl.u32 v2, $0x10;
	v13 =	vshrl.u32 v3, $0x10  }
0x179: {  	v14 =	vand.u32 $0x1, v16;
	v9 =	vand.u32 $0x1, v9;
	v10 =	vand.u32 $0x1, v10  }
0x17a: {  	v13 =	vand.u32 $0x1, v13;
	v1 =	vadd.s32 v14, v1;
	v4 =	vadd.s32 v9, v4  }
0x17b: {  	v2 =	vadd.s32 v10, v2;
	v3 =	vadd.s32 v13, v3;
	v1 =	vadd.s32 $0x7FFF, v1  }
0x17c: {  	v4 =	vadd.s32 $0x7FFF, v4;
	v2 =	vadd.s32 $0x7FFF, v2;
	v3 =	vadd.s32 $0x7FFF, v3  }
0x17d: {  	v1 =	vand.u32 $0xFFFF0000, v1;
	v4 =	vand.u32 $0xFFFF0000, v4;
	v2 =	vand.u32 $0xFFFF0000, v2  }
0x17e: {  	v3 =	vand.u32 $0xFFFF0000, v3;
	v4 =	vmul.f32 v4, v7;
	v2 =	vmul.f32 v2, v7  }
0x17f: {  	v5 =	vadd.f32 v12, v5;
	v1 =	vmul.f32 v1, v7;
	v3 =	vmul.f32 v3, v7  }
0x180: {  	v4 =	vadd.f32 v4, v6;
	v0 =	vadd.f32 v2, v0  }
0x181: {  	v1 =	vadd.f32 v1, v8;
	v2 =	vadd.f32 v3, v5  }
0x182: {  	v3 =	vmul.f32 $3.162277640e-01, v4;
	v0 =	vmul.f32 $3.162277640e-01, v0  }
0x183: {  	v2 =	vmul.f32 $3.162277640e-01, v2;
	v1 =	vmul.f32 $3.162277640e-01, v1;
	_ =	sdelay $0x1  }
0x184: {  	v4 =	vmax.f32 v3, v0;
	v5 =	vmax.f32 v2, v1  }
0x185: {  	v4 =	vmax.f32 v4, v5  }
0x186: {  	(xrf0) =	vmax.scan.msk.f32 $0xffff, v4;
	_ =	sdelay $0x5  }
0x187: {  	v4, _, _ =	vpop (xrf0)  }
0x188: {  	v4 =	vbroadcast v4, $0xF;
	_ =	sdelay $0x1  }
0x189: {  	v3 =	vsub.f32 v3, v4  }
0x18a: {  	v0 =	vsub.f32 v0, v4  }
0x18b: {  	v3 =	vmul.f32 $1.442695020e+00, v3  }
0x18c: {  	v2 =	vsub.f32 v2, v4;
	v0 =	vmul.f32 $1.442695020e+00, v0  }
0x18d: {  	v1 =	vsub.f32 v1, v4;
	(erf) = vpow2.f32 v3  }
0x18e: {  	(erf) = vpow2.f32 v0;
	v0 =	vmul.f32 $1.442695020e+00, v2  }
0x18f: {  	v1 =	vmul.f32 $1.442695020e+00, v1  }
0x190: {  	(erf) = vpow2.f32 v0  }
0x191: {  	(erf) = vpow2.f32 v1;
	_ =	sdelay $0x4  }
0x192: {  	v0 =	vpop (erf)  }
0x193: {  	v1 =	vpop (erf)  }
0x194: {  	v2 =	vadd.f32 v1, v0  }
0x195: {  	v3 =	vpop (erf)  }
0x196: {  	vm0 =	vmmov $0x3;
	v4 =	vpop (erf);
	v2 =	vadd.f32 v2, v3  }
0x197: {  	v4 =	vnsel vm0, $0x0, v4  }
0x198: {  	v2 =	vadd.f32 v2, v4;
	_ =	sdelay $0x1  }
0x199: {  	(xrf2) =	vadd.scan.msk.f32 $0xffff, v2;
	_ =	sdelay $0x9  }
0x19a: {  	v2, _, _ =	vpop (xrf2)  }
0x19b: {  	v2 =	vbroadcast v2, $0xF;
	_ =	sdelay $0x1  }
0x19c: {  	(erf) = vrcp.f32 v2;
	_ =	sdelay $0x8  }
0x19d: {  	v2 =	vpop (erf)  }
0x19e: {  	v0 =	vmul.f32 v2, v0  }
0x19f: {  	v1 =	vmul.f32 v2, v1  }
0x1a0: {  	v3 =	vmul.f32 v2, v3;
	[tilespmem:$0x268] =	vst v0  }
0x1a1: {  	s25 =	simm.s32 $0x10;
	v0 =	vmul.f32 v2, v4;
	[tilespmem:$0x278] =	vst v1  }
0x1a2: {  	s26 =	simm.s32 $0x0;
	v2 =	vlaneseq.u32;
	[tilespmem:$0x288] =	vst v3;
	v1 =	vmov s25  }
0x1a3: {  	s28 =	simm.s32 $0x1;
	v3 =	vor.u32 $0x30, v2;
	v6 =	vor.u32 s26, v2;
	[tilespmem:$0x298] =	vst v0  }
0x1a4: {  	v4 =	vor.u32 $0x10, v2;
	v0 =	vor.u32 s26, v3;
	_ =	swait.ge [sflag:s28], $0xE00  }
0x1a5: {  	v5 =	vor.u32 $0x20, v2;
	v8 =	vor.u32 s26, v4;
	[sflag:s28] =	ssyncset.done $0x0  }
0x1a6: {  	s4 =	simm.s32 $0x258;
	v9 =	vor.u32 s26, v5;
	[sflag:s28] =	ssyncadd.s32 $0xFFFFF200  }
0x1a7: {  	s3 =	simm.s32 $0x2A8;
	v7 =	vld.idx.msk [tilespmem:v1+s4+$0x0], $0xffff  }
0x1a8: {  	s29 =	simm.s32 $0x11;
	v6 =	vld.idx.msk [tilespmem:v6+s3+$0x0], $0xffff  }
0x1a9: {  	s30 =	simm.s32 $0x40;
	v12 =	vmov s29;
	v0 =	vld.idx.msk [tilespmem:v0+s3+$0x0], $0xffff  }
0x1aa: {  	v14 =	vor.u32 s30, v3;
	v8 =	vld.idx.msk [tilespmem:v8+s3+$0x0], $0xffff  }
0x1ab: {  	v9 =	vld.idx.msk [tilespmem:v9+s3+$0x0], $0xffff;
	_ =	sdelay $0x1  }
0x1ac: {  	v16 =	vor.u32 s30, v5;
	v1 =	vimm.f32 $0.0e+00  }
0x1ad: {  	v13 =	vld.idx.msk [tilespmem:v12+s4+$0x0], $0xffff;
	v10 =	vshrl.u32 v7, $0x10;
	v15 =	vshrl.u32 v6, $0x10;
	v11 =	vshrl.u32 v0, $0x10  }
0x1ae: {  	v14 =	vld.idx.msk [tilespmem:v14+s3+$0x0], $0xffff;
	v10 =	vand.u32 $0x1, v10;
	v17 =	vshrl.u32 v8, $0x10;
	v12 =	vand.u32 $0x1, v15  }
0x1af: {  	v15 =	vshrl.u32 v9, $0x10;
	v11 =	vand.u32 $0x1, v11;
	v7 =	vadd.s32 v10, v7  }
0x1b0: {  	v10 =	vor.u32 s30, v2;
	v17 =	vand.u32 $0x1, v17;
	v15 =	vand.u32 $0x1, v15  }
0x1b1: {  	v6 =	vadd.s32 v12, v6;
	v0 =	vadd.s32 v11, v0;
	v7 =	vadd.s32 $0x7FFF, v7  }
0x1b2: {  	s31 =	simm.s32 $0x12;
	v11 =	vor.u32 s30, v4;
	v8 =	vadd.s32 v17, v8;
	v9 =	vadd.s32 v15, v9  }
0x1b3: {  	v6 =	vadd.s32 $0x7FFF, v6;
	v17 =	vshrl.u32 v14, $0x10;
	v15 =	vmov s31  }
0x1b4: {  	v0 =	vadd.s32 $0x7FFF, v0;
	v7 =	vand.u32 $0xFFFF0000, v7;
	v8 =	vadd.s32 $0x7FFF, v8  }
0x1b5: {  	v9 =	vadd.s32 $0x7FFF, v9;
	v6 =	vand.u32 $0xFFFF0000, v6;
	v17 =	vand.u32 $0x1, v17  }
0x1b6: {  	v0 =	vand.u32 $0xFFFF0000, v0;
	v8 =	vand.u32 $0xFFFF0000, v8;
	v12 =	vmul.f32 v6, v7  }
0x1b7: {  	v9 =	vand.u32 $0xFFFF0000, v9;
	v0 =	vmul.f32 v0, v7;
	v8 =	vmul.f32 v8, v7;
	v10 =	vld.idx.msk [tilespmem:v10+s3+$0x0], $0xffff  }
0x1b8: {  	v6 =	vmul.f32 v9, v7;
	v9 =	vshrl.u32 v13, $0x10;
	v7 =	vadd.f32 v12, v1;
	v12 =	vld.idx.msk [tilespmem:v16+s3+$0x0], $0xffff  }
0x1b9: {  	s6 =	simm.s32 $0x80;
	s5 =	simm.s32 $0x3;
	v16 =	vand.u32 $0x1, v9;
	v9 =	vimm.f32 $0.0e+00;
	v0 =	vadd.f32 v0, v1;
	v11 =	vld.idx.msk [tilespmem:v11+s3+$0x0], $0xffff  }
.LBB2_6:
0x1ba: {  	p0 =	sne.s32 s5, $0x31;
	v18 =	vor.u32 s6, v3;
	v13 =	vadd.s32 v16, v13;
	v14 =	vadd.s32 v17, v14  }
0x1bb: {  	v16 =	vor.u32 s6, v2;
	v13 =	vadd.s32 $0x7FFF, v13;
	v14 =	vadd.s32 $0x7FFF, v14  }
0x1bc: {  	v17 =	vor.u32 s6, v4;
	v19 =	vand.u32 $0xFFFF0000, v13;
	v13 =	vand.u32 $0xFFFF0000, v14  }
0x1bd: {  	v20 =	vor.u32 s6, v5;
	v14 =	vshrl.u32 v10, $0x10;
	v21 =	vmul.f32 v13, v19  }
0x1be: {  	v22 =	vshrl.u32 v11, $0x10;
	v23 =	vshrl.u32 v12, $0x10;
	v13 =	vld.idx.msk [tilespmem:v15+s4+$0x0], $0xffff;
	v15 =	vand.u32 $0x1, v14  }
0x1bf: {  	v14 =	vld.idx.msk [tilespmem:v18+s3+$0x0], $0xffff;
	v18 =	vand.u32 $0x1, v22;
	v22 =	vand.u32 $0x1, v23;
	v0 =	vadd.f32 v21, v0  }
0x1c0: {  	v15 =	vadd.s32 v15, v10;
	v10 =	vld.idx.msk [tilespmem:v16+s3+$0x0], $0xffff;
	v16 =	vadd.s32 v18, v11;
	v12 =	vadd.s32 v22, v12  }
0x1c1: {  	v15 =	vadd.s32 $0x7FFF, v15;
	v11 =	vld.idx.msk [tilespmem:v17+s3+$0x0], $0xffff;
	v16 =	vadd.s32 $0x7FFF, v16;
	v17 =	vadd.s32 $0x7FFF, v12  }
.Ltmp10:
0x1c2: {  	v15 =	vand.u32 $0xFFFF0000, v15;
	v12 =	vld.idx.msk [tilespmem:v20+s3+$0x0], $0xffff;
	v16 =	vand.u32 $0xFFFF0000, v16;
	v17 =	vand.u32 $0xFFFF0000, v17;
	(pc) =	sbr.rel @p0 .LBB2_6-.Ltmp10, $4  }
0x1c3: {  	v1 =	vadd.f32 v8, v1;
	v15 =	vmul.f32 v15, v19;
	v8 =	vmul.f32 v16, v19  }
0x1c4: {  	v9 =	vadd.f32 v6, v9;
	v6 =	vmul.f32 v17, v19  }
0x1c5: {  	s6 =	sadd.s32 $0x10, s5;
	v16 =	vshrl.u32 v13, $0x10;
	v17 =	vshrl.u32 v14, $0x10;
	v7 =	vadd.f32 v15, v7  }
0x1c6: {  	v15 =	vmov s6;
	s6 =	sshll.u32 s5, $0x6;
	s5 =	sadd.s32 $0x1, s5;
	v16 =	vand.u32 $0x1, v16;
	v17 =	vand.u32 $0x1, v17  }
0x1c7: {  	_ = 	snop  }
0x1c8: {  	v3 =	vor.u32 s6, v3;
	v13 =	vadd.s32 v16, v13;
	v14 =	vadd.s32 v17, v14  }
0x1c9: {  	v2 =	vor.u32 s6, v2;
	v4 =	vor.u32 s6, v4;
	v5 =	vor.u32 s6, v5  }
0x1ca: {  	v51 =	vshrl.u32 v10, $0x10;
	v52 =	vshrl.u32 v11, $0x10;
	v18 =	vshrl.u32 v12, $0x10  }
0x1cb: {  	v15 =	vld.idx.msk [tilespmem:v15+s4+$0x0], $0xffff;
	v1 =	vadd.f32 v8, v1;
	v6 =	vadd.f32 v6, v9;
	v13 =	vadd.s32 $0x7FFF, v13  }
0x1cc: {  	v14 =	vadd.s32 $0x7FFF, v14;
	v16 =	vand.u32 $0x1, v51;
	v17 =	vand.u32 $0x1, v52  }
0x1cd: {  	v18 =	vand.u32 $0x1, v18;
	v13 =	vand.u32 $0xFFFF0000, v13;
	v14 =	vand.u32 $0xFFFF0000, v14  }
0x1ce: {  	v53 =	vadd.s32 v16, v10;
	v54 =	vadd.s32 v17, v11;
	v55 =	vadd.s32 v18, v12;
	v3 =	vld.idx.msk [tilespmem:v3+s3+$0x0], $0xffff  }
0x1cf: {  	v10 =	vadd.s32 $0x7FFF, v53;
	v11 =	vadd.s32 $0x7FFF, v54;
	v12 =	vadd.s32 $0x7FFF, v55;
	v2 =	vld.idx.msk [tilespmem:v2+s3+$0x0], $0xffff  }
0x1d0: {  	v10 =	vand.u32 $0xFFFF0000, v10;
	v11 =	vand.u32 $0xFFFF0000, v11;
	v4 =	vld.idx.msk [tilespmem:v4+s3+$0x0], $0xffff;
	v56 =	vshrl.u32 v15, $0x10  }
0x1d1: {  	v12 =	vand.u32 $0xFFFF0000, v12;
	v10 =	vmul.f32 v10, v13;
	v5 =	vld.idx.msk [tilespmem:v5+s3+$0x0], $0xffff;
	v8 =	vand.u32 $0x1, v56  }
0x1d2: {  	v11 =	vmul.f32 v11, v13;
	v12 =	vmul.f32 v12, v13;
	v8 =	vadd.s32 v8, v15  }
0x1d3: {  	v14 =	vmul.f32 v14, v13;
	v7 =	vadd.f32 v10, v7;
	v8 =	vadd.s32 $0x7FFF, v8  }
0x1d4: {  	v1 =	vadd.f32 v11, v1;
	v6 =	vadd.f32 v12, v6;
	v8 =	vand.u32 $0xFFFF0000, v8  }
0x1d5: {  	v57 =	vshrl.u32 v3, $0x10;
	v59 =	vshrl.u32 v2, $0x10;
	v60 =	vshrl.u32 v4, $0x10  }
0x1d6: {  	v61 =	vshrl.u32 v5, $0x10;
	v58 =	vand.u32 $0x1, v57;
	v9 =	vand.u32 $0x1, v59  }
0x1d7: {  	v10 =	vand.u32 $0x1, v60;
	v62 =	vand.u32 $0x1, v61;
	v2 =	vadd.s32 v9, v2  }
0x1d8: {  	v3 =	vadd.s32 v58, v3;
	v4 =	vadd.s32 v10, v4;
	v2 =	vadd.s32 $0x7FFF, v2  }
0x1d9: {  	v5 =	vadd.s32 v62, v5;
	v4 =	vadd.s32 $0x7FFF, v4;
	v2 =	vand.u32 $0xFFFF0000, v2  }
0x1da: {  	v5 =	vadd.s32 $0x7FFF, v5;
	v4 =	vand.u32 $0xFFFF0000, v4;
	v2 =	vmul.f32 v2, v8  }
0x1db: {  	v3 =	vadd.s32 $0x7FFF, v3;
	v5 =	vand.u32 $0xFFFF0000, v5;
	v4 =	vmul.f32 v4, v8  }
0x1dc: {  	v3 =	vand.u32 $0xFFFF0000, v3;
	v5 =	vmul.f32 v5, v8;
	v2 =	vadd.f32 v2, v7  }
0x1dd: {  	v0 =	vadd.f32 v14, v0;
	v3 =	vmul.f32 v3, v8;
	v1 =	vadd.f32 v4, v1  }
0x1de: {  	v63 =	vadd.f32 v5, v6;
	[tilespmem:$0x1EA8] =	vst v2  }
0x1df: {  	v0 =	vadd.f32 v3, v0;
	[tilespmem:$0x1EB8] =	vst v1  }
0x1e0: {  	[tilespmem:$0x1EC8] =	vst v63  }
0x1e1: {  	s29 =	simm.s32 $0x0;
	s30 =	simm.s32 $0x1EA8;
	s31 =	simm.s32 $0x2;
	[tilespmem:$0x1ED8] =	vst v0  }
0x1e2: {  	[hbm4b:s2+s29] =	stream.linear.scatter [tilespmem:s30], [sflag:$0x2], $0x40, $0x38;
	[tilespmem:$0x1EE8] =	vst v63  }
0x1e3: {  	_ =	swait.ge [sflag:s31], $0x40  }
0x1e4: {  	[sflag:s31] =	ssyncset.done $0x0  }
0x1e5: {  	[sflag:s31] =	ssyncadd.s32 $0xFFFFFFC0  }
.LBB2_18:
0x1e6: {  	_ =	sfence.sel $0x180000  }
0x1e7: {  	[bflag:$0x0] =	sbarrier.arrive $0xFFFF  }
0x1e8: {  	p0 =	sne.s32 s1, $0x0;
	_ =	strace $0x90000047  }
0x1e9: {  	s0 =	sadd.s32 @!p0 $0x100000, s0;
	[bflag:$0x2] =	sbarrier.arrive $0xFFFF  }
0x1ea: {  	[sflag:s0] =	ssyncadd.tile.s32 @!p0 $0x1;
	_ =	shalt  }
.Lfunc_end2:
_tile_overlayer_lowered:
.L_overlay_start_2:
0x1eb: {  	(tag) =	ssettag $0x2  }
0x1ec: {  	s0 =	rddreg [dreg:$0x0];
	s2 =	stileid.u32  }
0x1ed: {  	s1 =	rddreg [dreg:$0x1];
	p0 =	sne.s32 s2, $0x0  }
0x1ee: {  	s3 =	rddreg [dreg:$0x2];
	[bflag:$0x3] =	sbarrier.arrive $0xFFFF;
	s2 =	simm.s32 @!p0 $0x1C02  }
0x1ef: {  	[timem:s3], [sflag:s2] =	dma.local @!p0 [hbm:s0], s1  }
0x1f0: {  	s0 =	simm.s32 @!p0 $0x2  }
0x1f1: {  	_ =	swait.ge @!p0 [sflag:s0], s1  }
0x1f2: {  	s1 =	ssub.s32 @!p0 $0x0, s1;
	[sflag:s0] =	ssyncset.done @!p0 $0x0  }
0x1f3: {  	[sflag:s0] =	ssyncadd.s32 @!p0 s1  }
0x1f4: {  	[bflag:$0x3] =	sbarrier.arrive $0xFFFF  }
0x1f5: {  	_ =	shalt  }

</sc_bundles>
